<compile_context>
chip_gen: v7x
topology: tpu7x:2x2x1
jax: 0.10.2.dev20260603
libtpu: 0.0.44.dev20260713+nightly
codegen_flags: <defaults>
</compile_context>

<pallas_src>
import functools

import jax
import jax.numpy as jnp
from jax import lax
from jax.experimental import pallas as pl
from jax.experimental.pallas import tpu as pltpu
from jax.experimental.pallas import tpu_sc as plsc

_BK = 4096
_BC = 1024
_BIGF = 3e7


def _nn_body(q_ref, k_ref, top_sim_ref, top_idx_ref, avg_ref,
             qn_ref, idxf_ref, ksum_ref, kn0_ref, *, nblk, bk, k_total):
    i = pl.program_id(0)
    npad = nblk * bk - k_total

    @pl.when(i == 0)
    def _init():
        q = q_ref[...]
        qn_ref[...] = q / (jnp.sqrt(jnp.sum(q * q, axis=1, keepdims=True)) + 1e-8)
        top_sim_ref[...] = jnp.full(top_sim_ref.shape, -jnp.inf, jnp.float32)
        idxf_ref[...] = jnp.zeros(idxf_ref.shape, jnp.float32)
        ksum_ref[...] = jnp.zeros(ksum_ref.shape, jnp.float32)

    nch = bk // _BC
    for c in range(nch):
        kb = k_ref[c * _BC:(c + 1) * _BC, :]
        kn = kb / (jnp.sqrt(jnp.sum(kb * kb, axis=1, keepdims=True)) + 1e-8)
        ksum_ref[...] += jnp.sum(kn, axis=0, keepdims=True)

        if c == 0:
            @pl.when(i == 0)
            def _save_kn0():
                kn0_ref[...] = kn[0:1, :]

        sim = jax.lax.dot_general(
            qn_ref[...], kn, (((1,), (1,)), ((), ())),
            preferred_element_type=jnp.float32)

        local_max = jnp.max(sim, axis=1, keepdims=True)
        lanef = jax.lax.broadcasted_iota(
            jnp.int32, (sim.shape[0], 128), 1).astype(jnp.float32)
        cmins = [
            jnp.where(sim[:, s * 128:(s + 1) * 128] == local_max,
                      lanef + jnp.float32(s * 128), _BIGF)
            for s in range(_BC // 128)
        ]
        while len(cmins) > 1:
            cmins = [jnp.minimum(a, b) for a, b in zip(cmins[::2], cmins[1::2])]
        local_argf = jnp.min(cmins[0], axis=1, keepdims=True)
        better = local_max > top_sim_ref[...]
        idxf_ref[...] = jnp.where(
            better, local_argf + jnp.float32(i * bk + c * _BC),
            idxf_ref[...])
        top_sim_ref[...] = jnp.where(better, local_max, top_sim_ref[...])

    @pl.when(i == nblk - 1)
    def _finalize():
        ks = ksum_ref[...] - jnp.float32(npad) * kn0_ref[...]
        avg = jax.lax.dot_general(
            qn_ref[...], ks, (((1,), (1,)), ((), ())),
            preferred_element_type=jnp.float32)
        avg_ref[...] = avg * (1.0 / k_total)
        top_idx_ref[...] = idxf_ref[...].astype(jnp.int32)


def _sc_gather_classes(db_classes, top_idx_flat):
    info = plsc.get_sparse_core_info()
    nc, ns = info.num_cores, info.num_subcores
    nw = nc * ns
    b = top_idx_flat.shape[0]
    bpw = b // nw
    mesh = plsc.VectorSubcoreMesh(core_axis_name="c", subcore_axis_name="s")

    @functools.partial(
        pl.kernel, mesh=mesh,
        out_type=jax.ShapeDtypeStruct((b,), jnp.int32),
        scratch_types=[
            pltpu.VMEM((bpw,), jnp.int32),
            pltpu.VMEM((bpw,), jnp.int32),
            pltpu.SemaphoreType.DMA,
        ],
    )
    def _gather(table_hbm, idx_hbm, out_hbm, idx_v, vals_v, sem):
        wid = lax.axis_index("s") * nc + lax.axis_index("c")
        base = wid * bpw
        pltpu.sync_copy(idx_hbm.at[pl.ds(base, bpw)], idx_v)
        pltpu.async_copy(table_hbm.at[idx_v], vals_v, sem).wait()
        pltpu.sync_copy(vals_v, out_hbm.at[pl.ds(base, bpw)])

    return _gather(db_classes, top_idx_flat)


def kernel(queries, keys, db_classes):
    q, d = queries.shape
    k = keys.shape[0]
    k_pad = ((k + _BK - 1) // _BK) * _BK
    nblk = k_pad // _BK
    if k_pad != k:
        keys = jnp.concatenate(
            [keys, jnp.broadcast_to(keys[0:1, :], (k_pad - k, keys.shape[1]))],
            axis=0)

    top_sim, top_idx, avg_sim = pl.pallas_call(
        functools.partial(_nn_body, nblk=nblk, bk=_BK, k_total=k),
        grid=(nblk,),
        in_specs=[
            pl.BlockSpec((q, d), lambda i: (0, 0)),
            pl.BlockSpec((_BK, d), lambda i: (i, 0)),
        ],
        out_specs=[
            pl.BlockSpec((q, 1), lambda i: (0, 0)),
            pl.BlockSpec((q, 1), lambda i: (0, 0)),
            pl.BlockSpec((q, 1), lambda i: (0, 0)),
        ],
        out_shape=[
            jax.ShapeDtypeStruct((q, 1), jnp.float32),
            jax.ShapeDtypeStruct((q, 1), jnp.int32),
            jax.ShapeDtypeStruct((q, 1), jnp.float32),
        ],
        scratch_shapes=[
            pltpu.VMEM((q, d), jnp.float32),
            pltpu.VMEM((q, 1), jnp.float32),
            pltpu.VMEM((1, d), jnp.float32),
            pltpu.VMEM((1, d), jnp.float32),
        ],
        compiler_params=pltpu.CompilerParams(
            dimension_semantics=("arbitrary",)),
    )(queries, keys)

    top_cls = _sc_gather_classes(db_classes, top_idx[:, 0])
    return (top_sim, top_cls, avg_sim[:, 0])

# --- scband reference (transcript-rebuilt; emitter-appended) ---
"""Pipeline reference for scband-atnlpmodel-51196010168747 (READ-ONLY COPY).

The authoritative reference and input builder live on the scoring server;
editing this copy changes nothing except your own understanding.
"""

import jax, jax.numpy as jnp
import numpy as np

Q, K, D, TOPK = 1024, 100000, 128, 1

def setup_inputs(seed: int = 0) -> dict:
    key = jax.random.key(seed)
    k1, k2, k3 = jax.random.split(key, 3)
    queries = jax.random.normal(k1, (Q, D), dtype=jnp.float32)
    keys = jax.random.normal(k2, (K, D), dtype=jnp.float32)
    db_classes = jax.random.randint(k3, (K,), 0, 1000, dtype=jnp.int32)
    return {"queries": queries, "keys": keys, "db_classes": db_classes}

def reference(queries, keys, db_classes):
    # Faithful JAX port of ATNLPpt_comparison.compare_1d_batches: cosine-similarity
    # 1-NN retrieval of normalized snapshots against the snapshot database.
    qn = queries / (jnp.linalg.norm(queries, axis=1, keepdims=True) + 1e-8)
    kn = keys / (jnp.linalg.norm(keys, axis=1, keepdims=True) + 1e-8)
    sim = qn @ kn.T                                  # (Q, K) unit cosine similarity
    top_sim, top_idx = jax.lax.top_k(sim, TOPK)      # nearest-neighbour match per query
    top_cls = jnp.take(db_classes, top_idx[:, 0], axis=0)  # predicted class = class of best match
    avg_sim = jnp.mean(sim, axis=1)                  # average similarity across database
    return (top_sim, top_cls, avg_sim)

if __name__ == "__main__":
    import jax
    _d = setup_inputs()
    print(jax.jit(kernel)(*tuple(_d.values())))

</pallas_src>

<mosaic_0001>
#map = affine_map<(d0, d1) -> (0)>
module attributes {stable_mosaic.version = 14 : i64} {
  func.func @_gather(%arg0: i32, %arg1: i32, %arg2: memref<100000xi32, #tpu.memory_space<hbm>>, %arg3: memref<1024xi32, #tpu.memory_space<hbm>>, %arg4: memref<1024xi32, #tpu.memory_space<hbm>>, %arg5: memref<32xi32, #tpu.memory_space<vmem>>, %arg6: memref<32xi32, #tpu.memory_space<vmem>>, %arg7: memref<!tpu.dma_semaphore, #tpu.memory_space<semaphore_mem>>) attributes {dimension_semantics = [#tpu.dimension_semantics<core_parallel>, #tpu.dimension_semantics<subcore_parallel>], iteration_bounds = array<i64: 2, 16>, scalar_prefetch = 0 : i64, scratch_operands = 3 : i64, tpu.core_type = #tpu.core_type<sc_vector_subcore>, window_params = [{transform_indices = #map}, {transform_indices = #map}, {transform_indices = #map}]} {
    %mul3A = arith.constant 2 : i32
    %mul3A_0 = arith.muli %arg1, %mul3A : i32
    %add3A = arith.addi %mul3A_0, %arg0 : i32
    %mul3A_1 = arith.constant 32 : i32
    %mul3A_2 = arith.muli %add3A, %mul3A_1 : i32
    "tpu.region"() ({
      %run_scoped3A = tpu.sem_alloc : memref<!tpu.dma_semaphore, #tpu.memory_space<semaphore_mem>>
      %dma_start3A_5 = tpu.memref_slice %arg3[%mul3A_2] : memref<1024xi32, #tpu.memory_space<hbm>> -> memref<32xi32, #tpu.memory_space<hbm>>
      %dma_start3A_6 = tpu.memref_slice %arg3[%mul3A_2] : memref<1024xi32, #tpu.memory_space<hbm>> -> memref<32xi32, #tpu.memory_space<hbm>>
      tpu.enqueue_dma source(%dma_start3A_6 : memref<32xi32, #tpu.memory_space<hbm>>) target(%arg5 : memref<32xi32, #tpu.memory_space<vmem>>) target_semaphore(%run_scoped3A : memref<!tpu.dma_semaphore, #tpu.memory_space<semaphore_mem>>)
      %dma_wait3A_7 = tpu.memref_slice %arg3[%mul3A_2] : memref<1024xi32, #tpu.memory_space<hbm>> -> memref<32xi32, #tpu.memory_space<hbm>>
      %dma_wait3A_8 = tpu.memref_slice %arg3[%mul3A_2] : memref<1024xi32, #tpu.memory_space<hbm>> -> memref<32xi32, #tpu.memory_space<hbm>>
      tpu.wait_dma2 semaphore(%run_scoped3A : memref<!tpu.dma_semaphore, #tpu.memory_space<semaphore_mem>>) src(%dma_wait3A_8 : memref<32xi32, #tpu.memory_space<hbm>>) dst(%arg5 : memref<32xi32, #tpu.memory_space<vmem>>)
      tpu.yield
    }) : () -> ()
    %dma_start3A = arith.constant 0 : i32
    %dma_start3A_3 = tpu.memref_slice %arg2[%dma_start3A] : memref<100000xi32, #tpu.memory_space<hbm>> -> memref<100000xi32, #tpu.memory_space<hbm>>
    tpu.enqueue_indirect_dma source(%dma_start3A_3 : memref<100000xi32, #tpu.memory_space<hbm>>) target(%arg6 : memref<32xi32, #tpu.memory_space<vmem>>) offsets(%arg5 : memref<32xi32, #tpu.memory_space<vmem>>) semaphore(%arg7 : memref<!tpu.dma_semaphore, #tpu.memory_space<semaphore_mem>>)
    %dma_wait3A = arith.constant 0 : i32
    %dma_wait3A_4 = tpu.memref_slice %arg2[%dma_wait3A] : memref<100000xi32, #tpu.memory_space<hbm>> -> memref<100000xi32, #tpu.memory_space<hbm>>
    tpu.wait_indirect_dma semaphore(%arg7 : memref<!tpu.dma_semaphore, #tpu.memory_space<semaphore_mem>>) src(%dma_wait3A_4 : memref<100000xi32, #tpu.memory_space<hbm>>) dst(%arg6 : memref<32xi32, #tpu.memory_space<vmem>>)
    "tpu.region"() ({
      %run_scoped3A = tpu.sem_alloc : memref<!tpu.dma_semaphore, #tpu.memory_space<semaphore_mem>>
      %dma_start3A_5 = tpu.memref_slice %arg4[%mul3A_2] : memref<1024xi32, #tpu.memory_space<hbm>> -> memref<32xi32, #tpu.memory_space<hbm>>
      %dma_start3A_6 = tpu.memref_slice %arg4[%mul3A_2] : memref<1024xi32, #tpu.memory_space<hbm>> -> memref<32xi32, #tpu.memory_space<hbm>>
      tpu.enqueue_dma source(%arg6 : memref<32xi32, #tpu.memory_space<vmem>>) target(%dma_start3A_6 : memref<32xi32, #tpu.memory_space<hbm>>) target_semaphore(%run_scoped3A : memref<!tpu.dma_semaphore, #tpu.memory_space<semaphore_mem>>)
      %dma_wait3A_7 = tpu.memref_slice %arg4[%mul3A_2] : memref<1024xi32, #tpu.memory_space<hbm>> -> memref<32xi32, #tpu.memory_space<hbm>>
      %dma_wait3A_8 = tpu.memref_slice %arg4[%mul3A_2] : memref<1024xi32, #tpu.memory_space<hbm>> -> memref<32xi32, #tpu.memory_space<hbm>>
      tpu.wait_dma2 semaphore(%run_scoped3A : memref<!tpu.dma_semaphore, #tpu.memory_space<semaphore_mem>>) src(%arg6 : memref<32xi32, #tpu.memory_space<vmem>>) dst(%dma_wait3A_8 : memref<32xi32, #tpu.memory_space<hbm>>)
      tpu.yield
    }) : () -> ()
    return
  }
}

module attributes {stable_mosaic.version = 14 : i64} {
  func.func @_nn_body(%arg0: i32, %arg1: memref<1024x128xf32, #tpu.memory_space<vmem>>, %arg2: memref<4096x128xf32, #tpu.memory_space<vmem>>, %arg3: memref<1024x1xf32, #tpu.memory_space<vmem>>, %arg4: memref<1024x1xi32, #tpu.memory_space<vmem>>, %arg5: memref<1024x1xf32, #tpu.memory_space<vmem>>, %arg6: memref<1024x128xf32, #tpu.memory_space<vmem>>, %arg7: memref<1024x1xf32, #tpu.memory_space<vmem>>, %arg8: memref<1x128xf32, #tpu.memory_space<vmem>>, %arg9: memref<1x128xf32, #tpu.memory_space<vmem>>) attributes {dimension_semantics = [#tpu.dimension_semantics<arbitrary>], iteration_bounds = array<i64: 25>, scalar_prefetch = 0 : i64, scratch_operands = 4 : i64, tpu.core_type = #tpu.core_type<tc>, window_params = [{pipeline_mode = #tpu.pipeline_mode<synchronous>, transform_indices = @transform_0, window_bounds = array<i64: 1024, 128>}, {transform_indices = @transform_1, window_bounds = array<i64: 4096, 128>}, {pipeline_mode = #tpu.pipeline_mode<synchronous>, transform_indices = @transform_2, window_bounds = array<i64: 1024, 1>}, {pipeline_mode = #tpu.pipeline_mode<synchronous>, transform_indices = @transform_3, window_bounds = array<i64: 1024, 1>}, {pipeline_mode = #tpu.pipeline_mode<synchronous>, transform_indices = @transform_4, window_bounds = array<i64: 1024, 1>}]} {
    %eq3A = arith.constant 0 : i32
    %eq3A_0 = arith.cmpi eq, %arg0, %eq3A : i32
    %convert_element_type3A = arith.extui %eq3A_0 : i1 to i32
    %cond3A = arith.constant 0 : i32
    %cond3A_1 = arith.cmpi ne, %convert_element_type3A, %cond3A : i32
    scf.if %cond3A_1 {
      %get3A_555 = arith.constant 0 : index
      %get3A_556 = arith.constant 0 : index
      %get3A_557 = vector.load %arg1[%get3A_555, %get3A_556] : memref<1024x128xf32, #tpu.memory_space<vmem>>, vector<1024x128xf32>
      %mul3A_558 = arith.mulf %get3A_557, %get3A_557 : vector<1024x128xf32>
      %reduce_sum3A_559 = arith.constant dense<0.000000e+00> : vector<1024xf32>
      %reduce_sum3A_560 = vector.multi_reduction <add>, %mul3A_558, %reduce_sum3A_559 [1] : vector<1024x128xf32> to vector<1024xf32>
      %broadcast_in_dim3A_561 = vector.shape_cast %reduce_sum3A_560 : vector<1024xf32> to vector<1024x1xf32>
      %sqrt3A_562 = math.sqrt %broadcast_in_dim3A_561 : vector<1024x1xf32>
      %add3A_563 = arith.constant 9.99999993E-9 : f32
      %add3A_564 = vector.broadcast %add3A_563 : f32 to vector<1024x1xf32>
      %add3A_565 = arith.addf %sqrt3A_562, %add3A_564 : vector<1024x1xf32>
      %div3A_566 = vector.broadcast %add3A_565 : vector<1024x1xf32> to vector<1024x128xf32>
      %div3A_567 = arith.divf %get3A_557, %div3A_566 : vector<1024x128xf32>
      %swap3A_568 = arith.constant 0 : index
      %swap3A_569 = arith.constant 0 : index
      %swap3A_570 = vector.load %arg6[%swap3A_568, %swap3A_569] : memref<1024x128xf32, #tpu.memory_space<vmem>>, vector<1024x128xf32>
      tpu.vector_store %arg6[%swap3A_568, %swap3A_569], %div3A_567 {strides = array<i32>} : memref<1024x128xf32, #tpu.memory_space<vmem>>, vector<1024x128xf32>,
      %broadcast_in_dim3A_571 = arith.constant 0xFF800000 : f32
      %broadcast_in_dim3A_572 = vector.broadcast %broadcast_in_dim3A_571 : f32 to vector<1024x1xf32>
      %swap3A_573 = arith.constant 0 : index
      %swap3A_574 = arith.constant 0 : index
      %swap3A_575 = vector.load %arg3[%swap3A_573, %swap3A_574] : memref<1024x1xf32, #tpu.memory_space<vmem>>, vector<1024x1xf32>
      tpu.vector_store %arg3[%swap3A_573, %swap3A_574], %broadcast_in_dim3A_572 {strides = array<i32>} : memref<1024x1xf32, #tpu.memory_space<vmem>>, vector<1024x1xf32>,
      %broadcast_in_dim3A_576 = arith.constant 0.000000e+00 : f32
      %broadcast_in_dim3A_577 = vector.broadcast %broadcast_in_dim3A_576 : f32 to vector<1024x1xf32>
      %swap3A_578 = arith.constant 0 : index
      %swap3A_579 = arith.constant 0 : index
      %swap3A_580 = vector.load %arg7[%swap3A_578, %swap3A_579] : memref<1024x1xf32, #tpu.memory_space<vmem>>, vector<1024x1xf32>
      tpu.vector_store %arg7[%swap3A_578, %swap3A_579], %broadcast_in_dim3A_577 {strides = array<i32>} : memref<1024x1xf32, #tpu.memory_space<vmem>>, vector<1024x1xf32>,
      %broadcast_in_dim3A_581 = arith.constant 0.000000e+00 : f32
      %broadcast_in_dim3A_582 = vector.broadcast %broadcast_in_dim3A_581 : f32 to vector<1x128xf32>
      %swap3A_583 = arith.constant 0 : index
      %swap3A_584 = arith.constant 0 : index
      %swap3A_585 = vector.load %arg8[%swap3A_583, %swap3A_584] : memref<1x128xf32, #tpu.memory_space<vmem>>, vector<1x128xf32>
      tpu.vector_store %arg8[%swap3A_583, %swap3A_584], %broadcast_in_dim3A_582 {strides = array<i32>} : memref<1x128xf32, #tpu.memory_space<vmem>>, vector<1x128xf32>,
    } else {
    }
    %get3A = arith.constant 0 : index
    %get3A_2 = arith.constant 0 : index
    %get3A_3 = vector.load %arg2[%get3A, %get3A_2] : memref<4096x128xf32, #tpu.memory_space<vmem>>, vector<1024x128xf32>
    %mul3A = arith.mulf %get3A_3, %get3A_3 : vector<1024x128xf32>
    %reduce_sum3A = arith.constant dense<0.000000e+00> : vector<1024xf32>
    %reduce_sum3A_4 = vector.multi_reduction <add>, %mul3A, %reduce_sum3A [1] : vector<1024x128xf32> to vector<1024xf32>
    %broadcast_in_dim3A = vector.shape_cast %reduce_sum3A_4 : vector<1024xf32> to vector<1024x1xf32>
    %sqrt3A = math.sqrt %broadcast_in_dim3A : vector<1024x1xf32>
    %add3A = arith.constant 9.99999993E-9 : f32
    %add3A_5 = vector.broadcast %add3A : f32 to vector<1024x1xf32>
    %add3A_6 = arith.addf %sqrt3A, %add3A_5 : vector<1024x1xf32>
    %div3A = vector.broadcast %add3A_6 : vector<1024x1xf32> to vector<1024x128xf32>
    %div3A_7 = arith.divf %get3A_3, %div3A : vector<1024x128xf32>
    %get3A_8 = arith.constant 0 : index
    %get3A_9 = arith.constant 0 : index
    %get3A_10 = vector.load %arg8[%get3A_8, %get3A_9] : memref<1x128xf32, #tpu.memory_space<vmem>>, vector<1x128xf32>
    %reduce_sum3A_11 = arith.constant dense<0.000000e+00> : vector<128xf32>
    %reduce_sum3A_12 = vector.multi_reduction <add>, %div3A_7, %reduce_sum3A_11 [0] : vector<1024x128xf32> to vector<128xf32>
    %broadcast_in_dim3A_13 = vector.shape_cast %reduce_sum3A_12 : vector<128xf32> to vector<1x128xf32>
    %add3A_14 = arith.addf %get3A_10, %broadcast_in_dim3A_13 : vector<1x128xf32>
    %swap3A = arith.constant 0 : index
    %swap3A_15 = arith.constant 0 : index
    %swap3A_16 = vector.load %arg8[%swap3A, %swap3A_15] : memref<1x128xf32, #tpu.memory_space<vmem>>, vector<1x128xf32>
    tpu.vector_store %arg8[%swap3A, %swap3A_15], %add3A_14 {strides = array<i32>} : memref<1x128xf32, #tpu.memory_space<vmem>>, vector<1x128xf32>,
    %eq3A_17 = arith.constant 0 : i32
    %eq3A_18 = arith.cmpi eq, %arg0, %eq3A_17 : i32
    %convert_element_type3A_19 = arith.extui %eq3A_18 : i1 to i32
    %cond3A_20 = arith.constant 0 : i32
    %cond3A_21 = arith.cmpi ne, %convert_element_type3A_19, %cond3A_20 : i32
    scf.if %cond3A_21 {
      %slice3A_555 = vector.extract_strided_slice %div3A_7 {offsets = [0, 0], sizes = [1, 128], strides = [1, 1]} : vector<1024x128xf32> to vector<1x128xf32>
      %swap3A_556 = arith.constant 0 : index
      %swap3A_557 = arith.constant 0 : index
      %swap3A_558 = vector.load %arg9[%swap3A_556, %swap3A_557] : memref<1x128xf32, #tpu.memory_space<vmem>>, vector<1x128xf32>
      tpu.vector_store %arg9[%swap3A_556, %swap3A_557], %slice3A_555 {strides = array<i32>} : memref<1x128xf32, #tpu.memory_space<vmem>>, vector<1x128xf32>,
    } else {
    }
    %get3A_22 = arith.constant 0 : index
    %get3A_23 = arith.constant 0 : index
    %get3A_24 = vector.load %arg6[%get3A_22, %get3A_23] : memref<1024x128xf32, #tpu.memory_space<vmem>>, vector<1024x128xf32>
    %dot_general3A = arith.constant dense<0.000000e+00> : vector<1024x1024xf32>
    %dot_general3A_25 = tpu.matmul %get3A_24, %div3A_7, %dot_general3A {dimension_numbers = #tpu.dot_dimension_numbers<[1], [1], [0], [0], [0, 0, 1, 0], [], []>, transpose_lhs_hint = false} : vector<1024x128xf32>, vector<1024x128xf32>, vector<1024x1024xf32> -> vector<1024x1024xf32>
    %reduce_max3A = arith.constant dense<0xFF800000> : vector<1024xf32>
    %reduce_max3A_26 = vector.multi_reduction <maximumf>, %dot_general3A_25, %reduce_max3A [1] : vector<1024x1024xf32> to vector<1024xf32>
    %broadcast_in_dim3A_27 = vector.shape_cast %reduce_max3A_26 : vector<1024xf32> to vector<1024x1xf32>
    %iota3A = tpu.iota {dimensions = array<i32: 1>} : vector<1024x128xi32>
    %convert_element_type3A_28 = arith.sitofp %iota3A : vector<1024x128xi32> to vector<1024x128xf32>
    %slice3A = vector.extract_strided_slice %dot_general3A_25 {offsets = [0, 0], sizes = [1024, 128], strides = [1, 1]} : vector<1024x1024xf32> to vector<1024x128xf32>
    %eq3A_29 = vector.broadcast %broadcast_in_dim3A_27 : vector<1024x1xf32> to vector<1024x128xf32>
    %eq3A_30 = arith.cmpf oeq, %slice3A, %eq3A_29 : vector<1024x128xf32>
    %add3A_31 = arith.constant 0.000000e+00 : f32
    %add3A_32 = vector.broadcast %add3A_31 : f32 to vector<1024x128xf32>
    %add3A_33 = arith.addf %convert_element_type3A_28, %add3A_32 : vector<1024x128xf32>
    %jit3A = arith.constant 3.000000e+07 : f32
    %broadcast_in_dim3A_34 = vector.broadcast %jit3A : f32 to vector<1024x128xf32>
    %select_n3A = arith.select %eq3A_30, %add3A_33, %broadcast_in_dim3A_34 : vector<1024x128xi1>, vector<1024x128xf32>
    %slice3A_35 = vector.extract_strided_slice %dot_general3A_25 {offsets = [0, 128], sizes = [1024, 128], strides = [1, 1]} : vector<1024x1024xf32> to vector<1024x128xf32>
    %eq3A_36 = vector.broadcast %broadcast_in_dim3A_27 : vector<1024x1xf32> to vector<1024x128xf32>
    %eq3A_37 = arith.cmpf oeq, %slice3A_35, %eq3A_36 : vector<1024x128xf32>
    %add3A_38 = arith.constant 1.280000e+02 : f32
    %add3A_39 = vector.broadcast %add3A_38 : f32 to vector<1024x128xf32>
    %add3A_40 = arith.addf %convert_element_type3A_28, %add3A_39 : vector<1024x128xf32>
    %jit3A_41 = arith.constant 3.000000e+07 : f32
    %broadcast_in_dim3A_42 = vector.broadcast %jit3A_41 : f32 to vector<1024x128xf32>
    %select_n3A_43 = arith.select %eq3A_37, %add3A_40, %broadcast_in_dim3A_42 : vector<1024x128xi1>, vector<1024x128xf32>
    %slice3A_44 = vector.extract_strided_slice %dot_general3A_25 {offsets = [0, 256], sizes = [1024, 128], strides = [1, 1]} : vector<1024x1024xf32> to vector<1024x128xf32>
    %eq3A_45 = vector.broadcast %broadcast_in_dim3A_27 : vector<1024x1xf32> to vector<1024x128xf32>
    %eq3A_46 = arith.cmpf oeq, %slice3A_44, %eq3A_45 : vector<1024x128xf32>
    %add3A_47 = arith.constant 2.560000e+02 : f32
    %add3A_48 = vector.broadcast %add3A_47 : f32 to vector<1024x128xf32>
    %add3A_49 = arith.addf %convert_element_type3A_28, %add3A_48 : vector<1024x128xf32>
    %jit3A_50 = arith.constant 3.000000e+07 : f32
    %broadcast_in_dim3A_51 = vector.broadcast %jit3A_50 : f32 to vector<1024x128xf32>
    %select_n3A_52 = arith.select %eq3A_46, %add3A_49, %broadcast_in_dim3A_51 : vector<1024x128xi1>, vector<1024x128xf32>
    %slice3A_53 = vector.extract_strided_slice %dot_general3A_25 {offsets = [0, 384], sizes = [1024, 128], strides = [1, 1]} : vector<1024x1024xf32> to vector<1024x128xf32>
    %eq3A_54 = vector.broadcast %broadcast_in_dim3A_27 : vector<1024x1xf32> to vector<1024x128xf32>
    %eq3A_55 = arith.cmpf oeq, %slice3A_53, %eq3A_54 : vector<1024x128xf32>
    %add3A_56 = arith.constant 3.840000e+02 : f32
    %add3A_57 = vector.broadcast %add3A_56 : f32 to vector<1024x128xf32>
    %add3A_58 = arith.addf %convert_element_type3A_28, %add3A_57 : vector<1024x128xf32>
    %jit3A_59 = arith.constant 3.000000e+07 : f32
    %broadcast_in_dim3A_60 = vector.broadcast %jit3A_59 : f32 to vector<1024x128xf32>
    %select_n3A_61 = arith.select %eq3A_55, %add3A_58, %broadcast_in_dim3A_60 : vector<1024x128xi1>, vector<1024x128xf32>
    %slice3A_62 = vector.extract_strided_slice %dot_general3A_25 {offsets = [0, 512], sizes = [1024, 128], strides = [1, 1]} : vector<1024x1024xf32> to vector<1024x128xf32>
    %eq3A_63 = vector.broadcast %broadcast_in_dim3A_27 : vector<1024x1xf32> to vector<1024x128xf32>
    %eq3A_64 = arith.cmpf oeq, %slice3A_62, %eq3A_63 : vector<1024x128xf32>
    %add3A_65 = arith.constant 5.120000e+02 : f32
    %add3A_66 = vector.broadcast %add3A_65 : f32 to vector<1024x128xf32>
    %add3A_67 = arith.addf %convert_element_type3A_28, %add3A_66 : vector<1024x128xf32>
    %jit3A_68 = arith.constant 3.000000e+07 : f32
    %broadcast_in_dim3A_69 = vector.broadcast %jit3A_68 : f32 to vector<1024x128xf32>
    %select_n3A_70 = arith.select %eq3A_64, %add3A_67, %broadcast_in_dim3A_69 : vector<1024x128xi1>, vector<1024x128xf32>
    %slice3A_71 = vector.extract_strided_slice %dot_general3A_25 {offsets = [0, 640], sizes = [1024, 128], strides = [1, 1]} : vector<1024x1024xf32> to vector<1024x128xf32>
    %eq3A_72 = vector.broadcast %broadcast_in_dim3A_27 : vector<1024x1xf32> to vector<1024x128xf32>
    %eq3A_73 = arith.cmpf oeq, %slice3A_71, %eq3A_72 : vector<1024x128xf32>
    %add3A_74 = arith.constant 6.400000e+02 : f32
    %add3A_75 = vector.broadcast %add3A_74 : f32 to vector<1024x128xf32>
    %add3A_76 = arith.addf %convert_element_type3A_28, %add3A_75 : vector<1024x128xf32>
    %jit3A_77 = arith.constant 3.000000e+07 : f32
    %broadcast_in_dim3A_78 = vector.broadcast %jit3A_77 : f32 to vector<1024x128xf32>
    %select_n3A_79 = arith.select %eq3A_73, %add3A_76, %broadcast_in_dim3A_78 : vector<1024x128xi1>, vector<1024x128xf32>
    %slice3A_80 = vector.extract_strided_slice %dot_general3A_25 {offsets = [0, 768], sizes = [1024, 128], strides = [1, 1]} : vector<1024x1024xf32> to vector<1024x128xf32>
    %eq3A_81 = vector.broadcast %broadcast_in_dim3A_27 : vector<1024x1xf32> to vector<1024x128xf32>
    %eq3A_82 = arith.cmpf oeq, %slice3A_80, %eq3A_81 : vector<1024x128xf32>
    %add3A_83 = arith.constant 7.680000e+02 : f32
    %add3A_84 = vector.broadcast %add3A_83 : f32 to vector<1024x128xf32>
    %add3A_85 = arith.addf %convert_element_type3A_28, %add3A_84 : vector<1024x128xf32>
    %jit3A_86 = arith.constant 3.000000e+07 : f32
    %broadcast_in_dim3A_87 = vector.broadcast %jit3A_86 : f32 to vector<1024x128xf32>
    %select_n3A_88 = arith.select %eq3A_82, %add3A_85, %broadcast_in_dim3A_87 : vector<1024x128xi1>, vector<1024x128xf32>
    %slice3A_89 = vector.extract_strided_slice %dot_general3A_25 {offsets = [0, 896], sizes = [1024, 128], strides = [1, 1]} : vector<1024x1024xf32> to vector<1024x128xf32>
    %eq3A_90 = vector.broadcast %broadcast_in_dim3A_27 : vector<1024x1xf32> to vector<1024x128xf32>
    %eq3A_91 = arith.cmpf oeq, %slice3A_89, %eq3A_90 : vector<1024x128xf32>
    %add3A_92 = arith.constant 8.960000e+02 : f32
    %add3A_93 = vector.broadcast %add3A_92 : f32 to vector<1024x128xf32>
    %add3A_94 = arith.addf %convert_element_type3A_28, %add3A_93 : vector<1024x128xf32>
    %jit3A_95 = arith.constant 3.000000e+07 : f32
    %broadcast_in_dim3A_96 = vector.broadcast %jit3A_95 : f32 to vector<1024x128xf32>
    %select_n3A_97 = arith.select %eq3A_91, %add3A_94, %broadcast_in_dim3A_96 : vector<1024x128xi1>, vector<1024x128xf32>
    %min3A = arith.minimumf %select_n3A, %select_n3A_43 : vector<1024x128xf32>
    %min3A_98 = arith.minimumf %select_n3A_52, %select_n3A_61 : vector<1024x128xf32>
    %min3A_99 = arith.minimumf %select_n3A_70, %select_n3A_79 : vector<1024x128xf32>
    %min3A_100 = arith.minimumf %select_n3A_88, %select_n3A_97 : vector<1024x128xf32>
    %min3A_101 = arith.minimumf %min3A, %min3A_98 : vector<1024x128xf32>
    %min3A_102 = arith.minimumf %min3A_99, %min3A_100 : vector<1024x128xf32>
    %min3A_103 = arith.minimumf %min3A_101, %min3A_102 : vector<1024x128xf32>
    %reduce_min3A = arith.constant dense<0x7F800000> : vector<1024xf32>
    %reduce_min3A_104 = vector.multi_reduction <minimumf>, %min3A_103, %reduce_min3A [1] : vector<1024x128xf32> to vector<1024xf32>
    %broadcast_in_dim3A_105 = vector.shape_cast %reduce_min3A_104 : vector<1024xf32> to vector<1024x1xf32>
    %get3A_106 = arith.constant 0 : index
    %get3A_107 = arith.constant 0 : index
    %get3A_108 = vector.load %arg3[%get3A_106, %get3A_107] : memref<1024x1xf32, #tpu.memory_space<vmem>>, vector<1024x1xf32>
    %gt3A = arith.cmpf ogt, %broadcast_in_dim3A_27, %get3A_108 : vector<1024x1xf32>
    %mul3A_109 = arith.constant 4096 : i32
    %mul3A_110 = arith.muli %arg0, %mul3A_109 : i32
    %add3A_111 = arith.constant 0 : i32
    %add3A_112 = arith.addi %mul3A_110, %add3A_111 : i32
    %convert_element_type3A_113 = arith.sitofp %add3A_112 : i32 to f32
    %add3A_114 = vector.broadcast %convert_element_type3A_113 : f32 to vector<1024x1xf32>
    %add3A_115 = arith.addf %broadcast_in_dim3A_105, %add3A_114 : vector<1024x1xf32>
    %get3A_116 = arith.constant 0 : index
    %get3A_117 = arith.constant 0 : index
    %get3A_118 = vector.load %arg7[%get3A_116, %get3A_117] : memref<1024x1xf32, #tpu.memory_space<vmem>>, vector<1024x1xf32>
    %select_n3A_119 = arith.select %gt3A, %add3A_115, %get3A_118 : vector<1024x1xi1>, vector<1024x1xf32>
    %swap3A_120 = arith.constant 0 : index
    %swap3A_121 = arith.constant 0 : index
    %swap3A_122 = vector.load %arg7[%swap3A_120, %swap3A_121] : memref<1024x1xf32, #tpu.memory_space<vmem>>, vector<1024x1xf32>
    tpu.vector_store %arg7[%swap3A_120, %swap3A_121], %select_n3A_119 {strides = array<i32>} : memref<1024x1xf32, #tpu.memory_space<vmem>>, vector<1024x1xf32>,
    %get3A_123 = arith.constant 0 : index
    %get3A_124 = arith.constant 0 : index
    %get3A_125 = vector.load %arg3[%get3A_123, %get3A_124] : memref<1024x1xf32, #tpu.memory_space<vmem>>, vector<1024x1xf32>
    %select_n3A_126 = arith.select %gt3A, %broadcast_in_dim3A_27, %get3A_125 : vector<1024x1xi1>, vector<1024x1xf32>
    %swap3A_127 = arith.constant 0 : index
    %swap3A_128 = arith.constant 0 : index
    %swap3A_129 = vector.load %arg3[%swap3A_127, %swap3A_128] : memref<1024x1xf32, #tpu.memory_space<vmem>>, vector<1024x1xf32>
    tpu.vector_store %arg3[%swap3A_127, %swap3A_128], %select_n3A_126 {strides = array<i32>} : memref<1024x1xf32, #tpu.memory_space<vmem>>, vector<1024x1xf32>,
    %get3A_130 = arith.constant 1024 : index
    %get3A_131 = arith.constant 0 : index
    %get3A_132 = vector.load %arg2[%get3A_130, %get3A_131] : memref<4096x128xf32, #tpu.memory_space<vmem>>, vector<1024x128xf32>
    %mul3A_133 = arith.mulf %get3A_132, %get3A_132 : vector<1024x128xf32>
    %reduce_sum3A_134 = arith.constant dense<0.000000e+00> : vector<1024xf32>
    %reduce_sum3A_135 = vector.multi_reduction <add>, %mul3A_133, %reduce_sum3A_134 [1] : vector<1024x128xf32> to vector<1024xf32>
    %broadcast_in_dim3A_136 = vector.shape_cast %reduce_sum3A_135 : vector<1024xf32> to vector<1024x1xf32>
    %sqrt3A_137 = math.sqrt %broadcast_in_dim3A_136 : vector<1024x1xf32>
    %add3A_138 = arith.constant 9.99999993E-9 : f32
    %add3A_139 = vector.broadcast %add3A_138 : f32 to vector<1024x1xf32>
    %add3A_140 = arith.addf %sqrt3A_137, %add3A_139 : vector<1024x1xf32>
    %div3A_141 = vector.broadcast %add3A_140 : vector<1024x1xf32> to vector<1024x128xf32>
    %div3A_142 = arith.divf %get3A_132, %div3A_141 : vector<1024x128xf32>
    %get3A_143 = arith.constant 0 : index
    %get3A_144 = arith.constant 0 : index
    %get3A_145 = vector.load %arg8[%get3A_143, %get3A_144] : memref<1x128xf32, #tpu.memory_space<vmem>>, vector<1x128xf32>
    %reduce_sum3A_146 = arith.constant dense<0.000000e+00> : vector<128xf32>
    %reduce_sum3A_147 = vector.multi_reduction <add>, %div3A_142, %reduce_sum3A_146 [0] : vector<1024x128xf32> to vector<128xf32>
    %broadcast_in_dim3A_148 = vector.shape_cast %reduce_sum3A_147 : vector<128xf32> to vector<1x128xf32>
    %add3A_149 = arith.addf %get3A_145, %broadcast_in_dim3A_148 : vector<1x128xf32>
    %swap3A_150 = arith.constant 0 : index
    %swap3A_151 = arith.constant 0 : index
    %swap3A_152 = vector.load %arg8[%swap3A_150, %swap3A_151] : memref<1x128xf32, #tpu.memory_space<vmem>>, vector<1x128xf32>
    tpu.vector_store %arg8[%swap3A_150, %swap3A_151], %add3A_149 {strides = array<i32>} : memref<1x128xf32, #tpu.memory_space<vmem>>, vector<1x128xf32>,
    %get3A_153 = arith.constant 0 : index
    %get3A_154 = arith.constant 0 : index
    %get3A_155 = vector.load %arg6[%get3A_153, %get3A_154] : memref<1024x128xf32, #tpu.memory_space<vmem>>, vector<1024x128xf32>
    %dot_general3A_156 = arith.constant dense<0.000000e+00> : vector<1024x1024xf32>
    %dot_general3A_157 = tpu.matmul %get3A_155, %div3A_142, %dot_general3A_156 {dimension_numbers = #tpu.dot_dimension_numbers<[1], [1], [0], [0], [0, 0, 1, 0], [], []>, transpose_lhs_hint = false} : vector<1024x128xf32>, vector<1024x128xf32>, vector<1024x1024xf32> -> vector<1024x1024xf32>
    %reduce_max3A_158 = arith.constant dense<0xFF800000> : vector<1024xf32>
    %reduce_max3A_159 = vector.multi_reduction <maximumf>, %dot_general3A_157, %reduce_max3A_158 [1] : vector<1024x1024xf32> to vector<1024xf32>
    %broadcast_in_dim3A_160 = vector.shape_cast %reduce_max3A_159 : vector<1024xf32> to vector<1024x1xf32>
    %iota3A_161 = tpu.iota {dimensions = array<i32: 1>} : vector<1024x128xi32>
    %convert_element_type3A_162 = arith.sitofp %iota3A_161 : vector<1024x128xi32> to vector<1024x128xf32>
    %slice3A_163 = vector.extract_strided_slice %dot_general3A_157 {offsets = [0, 0], sizes = [1024, 128], strides = [1, 1]} : vector<1024x1024xf32> to vector<1024x128xf32>
    %eq3A_164 = vector.broadcast %broadcast_in_dim3A_160 : vector<1024x1xf32> to vector<1024x128xf32>
    %eq3A_165 = arith.cmpf oeq, %slice3A_163, %eq3A_164 : vector<1024x128xf32>
    %add3A_166 = arith.constant 0.000000e+00 : f32
    %add3A_167 = vector.broadcast %add3A_166 : f32 to vector<1024x128xf32>
    %add3A_168 = arith.addf %convert_element_type3A_162, %add3A_167 : vector<1024x128xf32>
    %jit3A_169 = arith.constant 3.000000e+07 : f32
    %broadcast_in_dim3A_170 = vector.broadcast %jit3A_169 : f32 to vector<1024x128xf32>
    %select_n3A_171 = arith.select %eq3A_165, %add3A_168, %broadcast_in_dim3A_170 : vector<1024x128xi1>, vector<1024x128xf32>
    %slice3A_172 = vector.extract_strided_slice %dot_general3A_157 {offsets = [0, 128], sizes = [1024, 128], strides = [1, 1]} : vector<1024x1024xf32> to vector<1024x128xf32>
    %eq3A_173 = vector.broadcast %broadcast_in_dim3A_160 : vector<1024x1xf32> to vector<1024x128xf32>
    %eq3A_174 = arith.cmpf oeq, %slice3A_172, %eq3A_173 : vector<1024x128xf32>
    %add3A_175 = arith.constant 1.280000e+02 : f32
    %add3A_176 = vector.broadcast %add3A_175 : f32 to vector<1024x128xf32>
    %add3A_177 = arith.addf %convert_element_type3A_162, %add3A_176 : vector<1024x128xf32>
    %jit3A_178 = arith.constant 3.000000e+07 : f32
    %broadcast_in_dim3A_179 = vector.broadcast %jit3A_178 : f32 to vector<1024x128xf32>
    %select_n3A_180 = arith.select %eq3A_174, %add3A_177, %broadcast_in_dim3A_179 : vector<1024x128xi1>, vector<1024x128xf32>
    %slice3A_181 = vector.extract_strided_slice %dot_general3A_157 {offsets = [0, 256], sizes = [1024, 128], strides = [1, 1]} : vector<1024x1024xf32> to vector<1024x128xf32>
    %eq3A_182 = vector.broadcast %broadcast_in_dim3A_160 : vector<1024x1xf32> to vector<1024x128xf32>
    %eq3A_183 = arith.cmpf oeq, %slice3A_181, %eq3A_182 : vector<1024x128xf32>
    %add3A_184 = arith.constant 2.560000e+02 : f32
    %add3A_185 = vector.broadcast %add3A_184 : f32 to vector<1024x128xf32>
    %add3A_186 = arith.addf %convert_element_type3A_162, %add3A_185 : vector<1024x128xf32>
    %jit3A_187 = arith.constant 3.000000e+07 : f32
    %broadcast_in_dim3A_188 = vector.broadcast %jit3A_187 : f32 to vector<1024x128xf32>
    %select_n3A_189 = arith.select %eq3A_183, %add3A_186, %broadcast_in_dim3A_188 : vector<1024x128xi1>, vector<1024x128xf32>
    %slice3A_190 = vector.extract_strided_slice %dot_general3A_157 {offsets = [0, 384], sizes = [1024, 128], strides = [1, 1]} : vector<1024x1024xf32> to vector<1024x128xf32>
    %eq3A_191 = vector.broadcast %broadcast_in_dim3A_160 : vector<1024x1xf32> to vector<1024x128xf32>
    %eq3A_192 = arith.cmpf oeq, %slice3A_190, %eq3A_191 : vector<1024x128xf32>
    %add3A_193 = arith.constant 3.840000e+02 : f32
    %add3A_194 = vector.broadcast %add3A_193 : f32 to vector<1024x128xf32>
    %add3A_195 = arith.addf %convert_element_type3A_162, %add3A_194 : vector<1024x128xf32>
    %jit3A_196 = arith.constant 3.000000e+07 : f32
    %broadcast_in_dim3A_197 = vector.broadcast %jit3A_196 : f32 to vector<1024x128xf32>
    %select_n3A_198 = arith.select %eq3A_192, %add3A_195, %broadcast_in_dim3A_197 : vector<1024x128xi1>, vector<1024x128xf32>
    %slice3A_199 = vector.extract_strided_slice %dot_general3A_157 {offsets = [0, 512], sizes = [1024, 128], strides = [1, 1]} : vector<1024x1024xf32> to vector<1024x128xf32>
    %eq3A_200 = vector.broadcast %broadcast_in_dim3A_160 : vector<1024x1xf32> to vector<1024x128xf32>
    %eq3A_201 = arith.cmpf oeq, %slice3A_199, %eq3A_200 : vector<1024x128xf32>
    %add3A_202 = arith.constant 5.120000e+02 : f32
    %add3A_203 = vector.broadcast %add3A_202 : f32 to vector<1024x128xf32>
    %add3A_204 = arith.addf %convert_element_type3A_162, %add3A_203 : vector<1024x128xf32>
    %jit3A_205 = arith.constant 3.000000e+07 : f32
    %broadcast_in_dim3A_206 = vector.broadcast %jit3A_205 : f32 to vector<1024x128xf32>
    %select_n3A_207 = arith.select %eq3A_201, %add3A_204, %broadcast_in_dim3A_206 : vector<1024x128xi1>, vector<1024x128xf32>
    %slice3A_208 = vector.extract_strided_slice %dot_general3A_157 {offsets = [0, 640], sizes = [1024, 128], strides = [1, 1]} : vector<1024x1024xf32> to vector<1024x128xf32>
    %eq3A_209 = vector.broadcast %broadcast_in_dim3A_160 : vector<1024x1xf32> to vector<1024x128xf32>
    %eq3A_210 = arith.cmpf oeq, %slice3A_208, %eq3A_209 : vector<1024x128xf32>
    %add3A_211 = arith.constant 6.400000e+02 : f32
    %add3A_212 = vector.broadcast %add3A_211 : f32 to vector<1024x128xf32>
    %add3A_213 = arith.addf %convert_element_type3A_162, %add3A_212 : vector<1024x128xf32>
    %jit3A_214 = arith.constant 3.000000e+07 : f32
    %broadcast_in_dim3A_215 = vector.broadcast %jit3A_214 : f32 to vector<1024x128xf32>
    %select_n3A_216 = arith.select %eq3A_210, %add3A_213, %broadcast_in_dim3A_215 : vector<1024x128xi1>, vector<1024x128xf32>
    %slice3A_217 = vector.extract_strided_slice %dot_general3A_157 {offsets = [0, 768], sizes = [1024, 128], strides = [1, 1]} : vector<1024x1024xf32> to vector<1024x128xf32>
    %eq3A_218 = vector.broadcast %broadcast_in_dim3A_160 : vector<1024x1xf32> to vector<1024x128xf32>
    %eq3A_219 = arith.cmpf oeq, %slice3A_217, %eq3A_218 : vector<1024x128xf32>
    %add3A_220 = arith.constant 7.680000e+02 : f32
    %add3A_221 = vector.broadcast %add3A_220 : f32 to vector<1024x128xf32>
    %add3A_222 = arith.addf %convert_element_type3A_162, %add3A_221 : vector<1024x128xf32>
    %jit3A_223 = arith.constant 3.000000e+07 : f32
    %broadcast_in_dim3A_224 = vector.broadcast %jit3A_223 : f32 to vector<1024x128xf32>
    %select_n3A_225 = arith.select %eq3A_219, %add3A_222, %broadcast_in_dim3A_224 : vector<1024x128xi1>, vector<1024x128xf32>
    %slice3A_226 = vector.extract_strided_slice %dot_general3A_157 {offsets = [0, 896], sizes = [1024, 128], strides = [1, 1]} : vector<1024x1024xf32> to vector<1024x128xf32>
    %eq3A_227 = vector.broadcast %broadcast_in_dim3A_160 : vector<1024x1xf32> to vector<1024x128xf32>
    %eq3A_228 = arith.cmpf oeq, %slice3A_226, %eq3A_227 : vector<1024x128xf32>
    %add3A_229 = arith.constant 8.960000e+02 : f32
    %add3A_230 = vector.broadcast %add3A_229 : f32 to vector<1024x128xf32>
    %add3A_231 = arith.addf %convert_element_type3A_162, %add3A_230 : vector<1024x128xf32>
    %jit3A_232 = arith.constant 3.000000e+07 : f32
    %broadcast_in_dim3A_233 = vector.broadcast %jit3A_232 : f32 to vector<1024x128xf32>
    %select_n3A_234 = arith.select %eq3A_228, %add3A_231, %broadcast_in_dim3A_233 : vector<1024x128xi1>, vector<1024x128xf32>
    %min3A_235 = arith.minimumf %select_n3A_171, %select_n3A_180 : vector<1024x128xf32>
    %min3A_236 = arith.minimumf %select_n3A_189, %select_n3A_198 : vector<1024x128xf32>
    %min3A_237 = arith.minimumf %select_n3A_207, %select_n3A_216 : vector<1024x128xf32>
    %min3A_238 = arith.minimumf %select_n3A_225, %select_n3A_234 : vector<1024x128xf32>
    %min3A_239 = arith.minimumf %min3A_235, %min3A_236 : vector<1024x128xf32>
    %min3A_240 = arith.minimumf %min3A_237, %min3A_238 : vector<1024x128xf32>
    %min3A_241 = arith.minimumf %min3A_239, %min3A_240 : vector<1024x128xf32>
    %reduce_min3A_242 = arith.constant dense<0x7F800000> : vector<1024xf32>
    %reduce_min3A_243 = vector.multi_reduction <minimumf>, %min3A_241, %reduce_min3A_242 [1] : vector<1024x128xf32> to vector<1024xf32>
    %broadcast_in_dim3A_244 = vector.shape_cast %reduce_min3A_243 : vector<1024xf32> to vector<1024x1xf32>
    %get3A_245 = arith.constant 0 : index
    %get3A_246 = arith.constant 0 : index
    %get3A_247 = vector.load %arg3[%get3A_245, %get3A_246] : memref<1024x1xf32, #tpu.memory_space<vmem>>, vector<1024x1xf32>
    %gt3A_248 = arith.cmpf ogt, %broadcast_in_dim3A_160, %get3A_247 : vector<1024x1xf32>
    %mul3A_249 = arith.constant 4096 : i32
    %mul3A_250 = arith.muli %arg0, %mul3A_249 : i32
    %add3A_251 = arith.constant 1024 : i32
    %add3A_252 = arith.addi %mul3A_250, %add3A_251 : i32
    %convert_element_type3A_253 = arith.sitofp %add3A_252 : i32 to f32
    %add3A_254 = vector.broadcast %convert_element_type3A_253 : f32 to vector<1024x1xf32>
    %add3A_255 = arith.addf %broadcast_in_dim3A_244, %add3A_254 : vector<1024x1xf32>
    %get3A_256 = arith.constant 0 : index
    %get3A_257 = arith.constant 0 : index
    %get3A_258 = vector.load %arg7[%get3A_256, %get3A_257] : memref<1024x1xf32, #tpu.memory_space<vmem>>, vector<1024x1xf32>
    %select_n3A_259 = arith.select %gt3A_248, %add3A_255, %get3A_258 : vector<1024x1xi1>, vector<1024x1xf32>
    %swap3A_260 = arith.constant 0 : index
    %swap3A_261 = arith.constant 0 : index
    %swap3A_262 = vector.load %arg7[%swap3A_260, %swap3A_261] : memref<1024x1xf32, #tpu.memory_space<vmem>>, vector<1024x1xf32>
    tpu.vector_store %arg7[%swap3A_260, %swap3A_261], %select_n3A_259 {strides = array<i32>} : memref<1024x1xf32, #tpu.memory_space<vmem>>, vector<1024x1xf32>,
    %get3A_263 = arith.constant 0 : index
    %get3A_264 = arith.constant 0 : index
    %get3A_265 = vector.load %arg3[%get3A_263, %get3A_264] : memref<1024x1xf32, #tpu.memory_space<vmem>>, vector<1024x1xf32>
    %select_n3A_266 = arith.select %gt3A_248, %broadcast_in_dim3A_160, %get3A_265 : vector<1024x1xi1>, vector<1024x1xf32>
    %swap3A_267 = arith.constant 0 : index
    %swap3A_268 = arith.constant 0 : index
    %swap3A_269 = vector.load %arg3[%swap3A_267, %swap3A_268] : memref<1024x1xf32, #tpu.memory_space<vmem>>, vector<1024x1xf32>
    tpu.vector_store %arg3[%swap3A_267, %swap3A_268], %select_n3A_266 {strides = array<i32>} : memref<1024x1xf32, #tpu.memory_space<vmem>>, vector<1024x1xf32>,
    %get3A_270 = arith.constant 2048 : index
    %get3A_271 = arith.constant 0 : index
    %get3A_272 = vector.load %arg2[%get3A_270, %get3A_271] : memref<4096x128xf32, #tpu.memory_space<vmem>>, vector<1024x128xf32>
    %mul3A_273 = arith.mulf %get3A_272, %get3A_272 : vector<1024x128xf32>
    %reduce_sum3A_274 = arith.constant dense<0.000000e+00> : vector<1024xf32>
    %reduce_sum3A_275 = vector.multi_reduction <add>, %mul3A_273, %reduce_sum3A_274 [1] : vector<1024x128xf32> to vector<1024xf32>
    %broadcast_in_dim3A_276 = vector.shape_cast %reduce_sum3A_275 : vector<1024xf32> to vector<1024x1xf32>
    %sqrt3A_277 = math.sqrt %broadcast_in_dim3A_276 : vector<1024x1xf32>
    %add3A_278 = arith.constant 9.99999993E-9 : f32
    %add3A_279 = vector.broadcast %add3A_278 : f32 to vector<1024x1xf32>
    %add3A_280 = arith.addf %sqrt3A_277, %add3A_279 : vector<1024x1xf32>
    %div3A_281 = vector.broadcast %add3A_280 : vector<1024x1xf32> to vector<1024x128xf32>
    %div3A_282 = arith.divf %get3A_272, %div3A_281 : vector<1024x128xf32>
    %get3A_283 = arith.constant 0 : index
    %get3A_284 = arith.constant 0 : index
    %get3A_285 = vector.load %arg8[%get3A_283, %get3A_284] : memref<1x128xf32, #tpu.memory_space<vmem>>, vector<1x128xf32>
    %reduce_sum3A_286 = arith.constant dense<0.000000e+00> : vector<128xf32>
    %reduce_sum3A_287 = vector.multi_reduction <add>, %div3A_282, %reduce_sum3A_286 [0] : vector<1024x128xf32> to vector<128xf32>
    %broadcast_in_dim3A_288 = vector.shape_cast %reduce_sum3A_287 : vector<128xf32> to vector<1x128xf32>
    %add3A_289 = arith.addf %get3A_285, %broadcast_in_dim3A_288 : vector<1x128xf32>
    %swap3A_290 = arith.constant 0 : index
    %swap3A_291 = arith.constant 0 : index
    %swap3A_292 = vector.load %arg8[%swap3A_290, %swap3A_291] : memref<1x128xf32, #tpu.memory_space<vmem>>, vector<1x128xf32>
    tpu.vector_store %arg8[%swap3A_290, %swap3A_291], %add3A_289 {strides = array<i32>} : memref<1x128xf32, #tpu.memory_space<vmem>>, vector<1x128xf32>,
    %get3A_293 = arith.constant 0 : index
    %get3A_294 = arith.constant 0 : index
    %get3A_295 = vector.load %arg6[%get3A_293, %get3A_294] : memref<1024x128xf32, #tpu.memory_space<vmem>>, vector<1024x128xf32>
    %dot_general3A_296 = arith.constant dense<0.000000e+00> : vector<1024x1024xf32>
    %dot_general3A_297 = tpu.matmul %get3A_295, %div3A_282, %dot_general3A_296 {dimension_numbers = #tpu.dot_dimension_numbers<[1], [1], [0], [0], [0, 0, 1, 0], [], []>, transpose_lhs_hint = false} : vector<1024x128xf32>, vector<1024x128xf32>, vector<1024x1024xf32> -> vector<1024x1024xf32>
    %reduce_max3A_298 = arith.constant dense<0xFF800000> : vector<1024xf32>
    %reduce_max3A_299 = vector.multi_reduction <maximumf>, %dot_general3A_297, %reduce_max3A_298 [1] : vector<1024x1024xf32> to vector<1024xf32>
    %broadcast_in_dim3A_300 = vector.shape_cast %reduce_max3A_299 : vector<1024xf32> to vector<1024x1xf32>
    %iota3A_301 = tpu.iota {dimensions = array<i32: 1>} : vector<1024x128xi32>
    %convert_element_type3A_302 = arith.sitofp %iota3A_301 : vector<1024x128xi32> to vector<1024x128xf32>
    %slice3A_303 = vector.extract_strided_slice %dot_general3A_297 {offsets = [0, 0], sizes = [1024, 128], strides = [1, 1]} : vector<1024x1024xf32> to vector<1024x128xf32>
    %eq3A_304 = vector.broadcast %broadcast_in_dim3A_300 : vector<1024x1xf32> to vector<1024x128xf32>
    %eq3A_305 = arith.cmpf oeq, %slice3A_303, %eq3A_304 : vector<1024x128xf32>
    %add3A_306 = arith.constant 0.000000e+00 : f32
    %add3A_307 = vector.broadcast %add3A_306 : f32 to vector<1024x128xf32>
    %add3A_308 = arith.addf %convert_element_type3A_302, %add3A_307 : vector<1024x128xf32>
    %jit3A_309 = arith.constant 3.000000e+07 : f32
    %broadcast_in_dim3A_310 = vector.broadcast %jit3A_309 : f32 to vector<1024x128xf32>
    %select_n3A_311 = arith.select %eq3A_305, %add3A_308, %broadcast_in_dim3A_310 : vector<1024x128xi1>, vector<1024x128xf32>
    %slice3A_312 = vector.extract_strided_slice %dot_general3A_297 {offsets = [0, 128], sizes = [1024, 128], strides = [1, 1]} : vector<1024x1024xf32> to vector<1024x128xf32>
    %eq3A_313 = vector.broadcast %broadcast_in_dim3A_300 : vector<1024x1xf32> to vector<1024x128xf32>
    %eq3A_314 = arith.cmpf oeq, %slice3A_312, %eq3A_313 : vector<1024x128xf32>
    %add3A_315 = arith.constant 1.280000e+02 : f32
    %add3A_316 = vector.broadcast %add3A_315 : f32 to vector<1024x128xf32>
    %add3A_317 = arith.addf %convert_element_type3A_302, %add3A_316 : vector<1024x128xf32>
    %jit3A_318 = arith.constant 3.000000e+07 : f32
    %broadcast_in_dim3A_319 = vector.broadcast %jit3A_318 : f32 to vector<1024x128xf32>
    %select_n3A_320 = arith.select %eq3A_314, %add3A_317, %broadcast_in_dim3A_319 : vector<1024x128xi1>, vector<1024x128xf32>
    %slice3A_321 = vector.extract_strided_slice %dot_general3A_297 {offsets = [0, 256], sizes = [1024, 128], strides = [1, 1]} : vector<1024x1024xf32> to vector<1024x128xf32>
    %eq3A_322 = vector.broadcast %broadcast_in_dim3A_300 : vector<1024x1xf32> to vector<1024x128xf32>
    %eq3A_323 = arith.cmpf oeq, %slice3A_321, %eq3A_322 : vector<1024x128xf32>
    %add3A_324 = arith.constant 2.560000e+02 : f32
    %add3A_325 = vector.broadcast %add3A_324 : f32 to vector<1024x128xf32>
    %add3A_326 = arith.addf %convert_element_type3A_302, %add3A_325 : vector<1024x128xf32>
    %jit3A_327 = arith.constant 3.000000e+07 : f32
    %broadcast_in_dim3A_328 = vector.broadcast %jit3A_327 : f32 to vector<1024x128xf32>
    %select_n3A_329 = arith.select %eq3A_323, %add3A_326, %broadcast_in_dim3A_328 : vector<1024x128xi1>, vector<1024x128xf32>
    %slice3A_330 = vector.extract_strided_slice %dot_general3A_297 {offsets = [0, 384], sizes = [1024, 128], strides = [1, 1]} : vector<1024x1024xf32> to vector<1024x128xf32>
    %eq3A_331 = vector.broadcast %broadcast_in_dim3A_300 : vector<1024x1xf32> to vector<1024x128xf32>
    %eq3A_332 = arith.cmpf oeq, %slice3A_330, %eq3A_331 : vector<1024x128xf32>
    %add3A_333 = arith.constant 3.840000e+02 : f32
    %add3A_334 = vector.broadcast %add3A_333 : f32 to vector<1024x128xf32>
    %add3A_335 = arith.addf %convert_element_type3A_302, %add3A_334 : vector<1024x128xf32>
    %jit3A_336 = arith.constant 3.000000e+07 : f32
    %broadcast_in_dim3A_337 = vector.broadcast %jit3A_336 : f32 to vector<1024x128xf32>
    %select_n3A_338 = arith.select %eq3A_332, %add3A_335, %broadcast_in_dim3A_337 : vector<1024x128xi1>, vector<1024x128xf32>
    %slice3A_339 = vector.extract_strided_slice %dot_general3A_297 {offsets = [0, 512], sizes = [1024, 128], strides = [1, 1]} : vector<1024x1024xf32> to vector<1024x128xf32>
    %eq3A_340 = vector.broadcast %broadcast_in_dim3A_300 : vector<1024x1xf32> to vector<1024x128xf32>
    %eq3A_341 = arith.cmpf oeq, %slice3A_339, %eq3A_340 : vector<1024x128xf32>
    %add3A_342 = arith.constant 5.120000e+02 : f32
    %add3A_343 = vector.broadcast %add3A_342 : f32 to vector<1024x128xf32>
    %add3A_344 = arith.addf %convert_element_type3A_302, %add3A_343 : vector<1024x128xf32>
    %jit3A_345 = arith.constant 3.000000e+07 : f32
    %broadcast_in_dim3A_346 = vector.broadcast %jit3A_345 : f32 to vector<1024x128xf32>
    %select_n3A_347 = arith.select %eq3A_341, %add3A_344, %broadcast_in_dim3A_346 : vector<1024x128xi1>, vector<1024x128xf32>
    %slice3A_348 = vector.extract_strided_slice %dot_general3A_297 {offsets = [0, 640], sizes = [1024, 128], strides = [1, 1]} : vector<1024x1024xf32> to vector<1024x128xf32>
    %eq3A_349 = vector.broadcast %broadcast_in_dim3A_300 : vector<1024x1xf32> to vector<1024x128xf32>
    %eq3A_350 = arith.cmpf oeq, %slice3A_348, %eq3A_349 : vector<1024x128xf32>
    %add3A_351 = arith.constant 6.400000e+02 : f32
    %add3A_352 = vector.broadcast %add3A_351 : f32 to vector<1024x128xf32>
    %add3A_353 = arith.addf %convert_element_type3A_302, %add3A_352 : vector<1024x128xf32>
    %jit3A_354 = arith.constant 3.000000e+07 : f32
    %broadcast_in_dim3A_355 = vector.broadcast %jit3A_354 : f32 to vector<1024x128xf32>
    %select_n3A_356 = arith.select %eq3A_350, %add3A_353, %broadcast_in_dim3A_355 : vector<1024x128xi1>, vector<1024x128xf32>
    %slice3A_357 = vector.extract_strided_slice %dot_general3A_297 {offsets = [0, 768], sizes = [1024, 128], strides = [1, 1]} : vector<1024x1024xf32> to vector<1024x128xf32>
    %eq3A_358 = vector.broadcast %broadcast_in_dim3A_300 : vector<1024x1xf32> to vector<1024x128xf32>
    %eq3A_359 = arith.cmpf oeq, %slice3A_357, %eq3A_358 : vector<1024x128xf32>
    %add3A_360 = arith.constant 7.680000e+02 : f32
    %add3A_361 = vector.broadcast %add3A_360 : f32 to vector<1024x128xf32>
    %add3A_362 = arith.addf %convert_element_type3A_302, %add3A_361 : vector<1024x128xf32>
    %jit3A_363 = arith.constant 3.000000e+07 : f32
    %broadcast_in_dim3A_364 = vector.broadcast %jit3A_363 : f32 to vector<1024x128xf32>
    %select_n3A_365 = arith.select %eq3A_359, %add3A_362, %broadcast_in_dim3A_364 : vector<1024x128xi1>, vector<1024x128xf32>
    %slice3A_366 = vector.extract_strided_slice %dot_general3A_297 {offsets = [0, 896], sizes = [1024, 128], strides = [1, 1]} : vector<1024x1024xf32> to vector<1024x128xf32>
    %eq3A_367 = vector.broadcast %broadcast_in_dim3A_300 : vector<1024x1xf32> to vector<1024x128xf32>
    %eq3A_368 = arith.cmpf oeq, %slice3A_366, %eq3A_367 : vector<1024x128xf32>
    %add3A_369 = arith.constant 8.960000e+02 : f32
    %add3A_370 = vector.broadcast %add3A_369 : f32 to vector<1024x128xf32>
    %add3A_371 = arith.addf %convert_element_type3A_302, %add3A_370 : vector<1024x128xf32>
    %jit3A_372 = arith.constant 3.000000e+07 : f32
    %broadcast_in_dim3A_373 = vector.broadcast %jit3A_372 : f32 to vector<1024x128xf32>
    %select_n3A_374 = arith.select %eq3A_368, %add3A_371, %broadcast_in_dim3A_373 : vector<1024x128xi1>, vector<1024x128xf32>
    %min3A_375 = arith.minimumf %select_n3A_311, %select_n3A_320 : vector<1024x128xf32>
    %min3A_376 = arith.minimumf %select_n3A_329, %select_n3A_338 : vector<1024x128xf32>
    %min3A_377 = arith.minimumf %select_n3A_347, %select_n3A_356 : vector<1024x128xf32>
    %min3A_378 = arith.minimumf %select_n3A_365, %select_n3A_374 : vector<1024x128xf32>
    %min3A_379 = arith.minimumf %min3A_375, %min3A_376 : vector<1024x128xf32>
    %min3A_380 = arith.minimumf %min3A_377, %min3A_378 : vector<1024x128xf32>
    %min3A_381 = arith.minimumf %min3A_379, %min3A_380 : vector<1024x128xf32>
    %reduce_min3A_382 = arith.constant dense<0x7F800000> : vector<1024xf32>
    %reduce_min3A_383 = vector.multi_reduction <minimumf>, %min3A_381, %reduce_min3A_382 [1] : vector<1024x128xf32> to vector<1024xf32>
    %broadcast_in_dim3A_384 = vector.shape_cast %reduce_min3A_383 : vector<1024xf32> to vector<1024x1xf32>
    %get3A_385 = arith.constant 0 : index
    %get3A_386 = arith.constant 0 : index
    %get3A_387 = vector.load %arg3[%get3A_385, %get3A_386] : memref<1024x1xf32, #tpu.memory_space<vmem>>, vector<1024x1xf32>
    %gt3A_388 = arith.cmpf ogt, %broadcast_in_dim3A_300, %get3A_387 : vector<1024x1xf32>
    %mul3A_389 = arith.constant 4096 : i32
    %mul3A_390 = arith.muli %arg0, %mul3A_389 : i32
    %add3A_391 = arith.constant 2048 : i32
    %add3A_392 = arith.addi %mul3A_390, %add3A_391 : i32
    %convert_element_type3A_393 = arith.sitofp %add3A_392 : i32 to f32
    %add3A_394 = vector.broadcast %convert_element_type3A_393 : f32 to vector<1024x1xf32>
    %add3A_395 = arith.addf %broadcast_in_dim3A_384, %add3A_394 : vector<1024x1xf32>
    %get3A_396 = arith.constant 0 : index
    %get3A_397 = arith.constant 0 : index
    %get3A_398 = vector.load %arg7[%get3A_396, %get3A_397] : memref<1024x1xf32, #tpu.memory_space<vmem>>, vector<1024x1xf32>
    %select_n3A_399 = arith.select %gt3A_388, %add3A_395, %get3A_398 : vector<1024x1xi1>, vector<1024x1xf32>
    %swap3A_400 = arith.constant 0 : index
    %swap3A_401 = arith.constant 0 : index
    %swap3A_402 = vector.load %arg7[%swap3A_400, %swap3A_401] : memref<1024x1xf32, #tpu.memory_space<vmem>>, vector<1024x1xf32>
    tpu.vector_store %arg7[%swap3A_400, %swap3A_401], %select_n3A_399 {strides = array<i32>} : memref<1024x1xf32, #tpu.memory_space<vmem>>, vector<1024x1xf32>,
    %get3A_403 = arith.constant 0 : index
    %get3A_404 = arith.constant 0 : index
    %get3A_405 = vector.load %arg3[%get3A_403, %get3A_404] : memref<1024x1xf32, #tpu.memory_space<vmem>>, vector<1024x1xf32>
    %select_n3A_406 = arith.select %gt3A_388, %broadcast_in_dim3A_300, %get3A_405 : vector<1024x1xi1>, vector<1024x1xf32>
    %swap3A_407 = arith.constant 0 : index
    %swap3A_408 = arith.constant 0 : index
    %swap3A_409 = vector.load %arg3[%swap3A_407, %swap3A_408] : memref<1024x1xf32, #tpu.memory_space<vmem>>, vector<1024x1xf32>
    tpu.vector_store %arg3[%swap3A_407, %swap3A_408], %select_n3A_406 {strides = array<i32>} : memref<1024x1xf32, #tpu.memory_space<vmem>>, vector<1024x1xf32>,
    %get3A_410 = arith.constant 3072 : index
    %get3A_411 = arith.constant 0 : index
    %get3A_412 = vector.load %arg2[%get3A_410, %get3A_411] : memref<4096x128xf32, #tpu.memory_space<vmem>>, vector<1024x128xf32>
    %mul3A_413 = arith.mulf %get3A_412, %get3A_412 : vector<1024x128xf32>
    %reduce_sum3A_414 = arith.constant dense<0.000000e+00> : vector<1024xf32>
    %reduce_sum3A_415 = vector.multi_reduction <add>, %mul3A_413, %reduce_sum3A_414 [1] : vector<1024x128xf32> to vector<1024xf32>
    %broadcast_in_dim3A_416 = vector.shape_cast %reduce_sum3A_415 : vector<1024xf32> to vector<1024x1xf32>
    %sqrt3A_417 = math.sqrt %broadcast_in_dim3A_416 : vector<1024x1xf32>
    %add3A_418 = arith.constant 9.99999993E-9 : f32
    %add3A_419 = vector.broadcast %add3A_418 : f32 to vector<1024x1xf32>
    %add3A_420 = arith.addf %sqrt3A_417, %add3A_419 : vector<1024x1xf32>
    %div3A_421 = vector.broadcast %add3A_420 : vector<1024x1xf32> to vector<1024x128xf32>
    %div3A_422 = arith.divf %get3A_412, %div3A_421 : vector<1024x128xf32>
    %get3A_423 = arith.constant 0 : index
    %get3A_424 = arith.constant 0 : index
    %get3A_425 = vector.load %arg8[%get3A_423, %get3A_424] : memref<1x128xf32, #tpu.memory_space<vmem>>, vector<1x128xf32>
    %reduce_sum3A_426 = arith.constant dense<0.000000e+00> : vector<128xf32>
    %reduce_sum3A_427 = vector.multi_reduction <add>, %div3A_422, %reduce_sum3A_426 [0] : vector<1024x128xf32> to vector<128xf32>
    %broadcast_in_dim3A_428 = vector.shape_cast %reduce_sum3A_427 : vector<128xf32> to vector<1x128xf32>
    %add3A_429 = arith.addf %get3A_425, %broadcast_in_dim3A_428 : vector<1x128xf32>
    %swap3A_430 = arith.constant 0 : index
    %swap3A_431 = arith.constant 0 : index
    %swap3A_432 = vector.load %arg8[%swap3A_430, %swap3A_431] : memref<1x128xf32, #tpu.memory_space<vmem>>, vector<1x128xf32>
    tpu.vector_store %arg8[%swap3A_430, %swap3A_431], %add3A_429 {strides = array<i32>} : memref<1x128xf32, #tpu.memory_space<vmem>>, vector<1x128xf32>,
    %get3A_433 = arith.constant 0 : index
    %get3A_434 = arith.constant 0 : index
    %get3A_435 = vector.load %arg6[%get3A_433, %get3A_434] : memref<1024x128xf32, #tpu.memory_space<vmem>>, vector<1024x128xf32>
    %dot_general3A_436 = arith.constant dense<0.000000e+00> : vector<1024x1024xf32>
    %dot_general3A_437 = tpu.matmul %get3A_435, %div3A_422, %dot_general3A_436 {dimension_numbers = #tpu.dot_dimension_numbers<[1], [1], [0], [0], [0, 0, 1, 0], [], []>, transpose_lhs_hint = false} : vector<1024x128xf32>, vector<1024x128xf32>, vector<1024x1024xf32> -> vector<1024x1024xf32>
    %reduce_max3A_438 = arith.constant dense<0xFF800000> : vector<1024xf32>
    %reduce_max3A_439 = vector.multi_reduction <maximumf>, %dot_general3A_437, %reduce_max3A_438 [1] : vector<1024x1024xf32> to vector<1024xf32>
    %broadcast_in_dim3A_440 = vector.shape_cast %reduce_max3A_439 : vector<1024xf32> to vector<1024x1xf32>
    %iota3A_441 = tpu.iota {dimensions = array<i32: 1>} : vector<1024x128xi32>
    %convert_element_type3A_442 = arith.sitofp %iota3A_441 : vector<1024x128xi32> to vector<1024x128xf32>
    %slice3A_443 = vector.extract_strided_slice %dot_general3A_437 {offsets = [0, 0], sizes = [1024, 128], strides = [1, 1]} : vector<1024x1024xf32> to vector<1024x128xf32>
    %eq3A_444 = vector.broadcast %broadcast_in_dim3A_440 : vector<1024x1xf32> to vector<1024x128xf32>
    %eq3A_445 = arith.cmpf oeq, %slice3A_443, %eq3A_444 : vector<1024x128xf32>
    %add3A_446 = arith.constant 0.000000e+00 : f32
    %add3A_447 = vector.broadcast %add3A_446 : f32 to vector<1024x128xf32>
    %add3A_448 = arith.addf %convert_element_type3A_442, %add3A_447 : vector<1024x128xf32>
    %jit3A_449 = arith.constant 3.000000e+07 : f32
    %broadcast_in_dim3A_450 = vector.broadcast %jit3A_449 : f32 to vector<1024x128xf32>
    %select_n3A_451 = arith.select %eq3A_445, %add3A_448, %broadcast_in_dim3A_450 : vector<1024x128xi1>, vector<1024x128xf32>
    %slice3A_452 = vector.extract_strided_slice %dot_general3A_437 {offsets = [0, 128], sizes = [1024, 128], strides = [1, 1]} : vector<1024x1024xf32> to vector<1024x128xf32>
    %eq3A_453 = vector.broadcast %broadcast_in_dim3A_440 : vector<1024x1xf32> to vector<1024x128xf32>
    %eq3A_454 = arith.cmpf oeq, %slice3A_452, %eq3A_453 : vector<1024x128xf32>
    %add3A_455 = arith.constant 1.280000e+02 : f32
    %add3A_456 = vector.broadcast %add3A_455 : f32 to vector<1024x128xf32>
    %add3A_457 = arith.addf %convert_element_type3A_442, %add3A_456 : vector<1024x128xf32>
    %jit3A_458 = arith.constant 3.000000e+07 : f32
    %broadcast_in_dim3A_459 = vector.broadcast %jit3A_458 : f32 to vector<1024x128xf32>
    %select_n3A_460 = arith.select %eq3A_454, %add3A_457, %broadcast_in_dim3A_459 : vector<1024x128xi1>, vector<1024x128xf32>
    %slice3A_461 = vector.extract_strided_slice %dot_general3A_437 {offsets = [0, 256], sizes = [1024, 128], strides = [1, 1]} : vector<1024x1024xf32> to vector<1024x128xf32>
    %eq3A_462 = vector.broadcast %broadcast_in_dim3A_440 : vector<1024x1xf32> to vector<1024x128xf32>
    %eq3A_463 = arith.cmpf oeq, %slice3A_461, %eq3A_462 : vector<1024x128xf32>
    %add3A_464 = arith.constant 2.560000e+02 : f32
    %add3A_465 = vector.broadcast %add3A_464 : f32 to vector<1024x128xf32>
    %add3A_466 = arith.addf %convert_element_type3A_442, %add3A_465 : vector<1024x128xf32>
    %jit3A_467 = arith.constant 3.000000e+07 : f32
    %broadcast_in_dim3A_468 = vector.broadcast %jit3A_467 : f32 to vector<1024x128xf32>
    %select_n3A_469 = arith.select %eq3A_463, %add3A_466, %broadcast_in_dim3A_468 : vector<1024x128xi1>, vector<1024x128xf32>
    %slice3A_470 = vector.extract_strided_slice %dot_general3A_437 {offsets = [0, 384], sizes = [1024, 128], strides = [1, 1]} : vector<1024x1024xf32> to vector<1024x128xf32>
    %eq3A_471 = vector.broadcast %broadcast_in_dim3A_440 : vector<1024x1xf32> to vector<1024x128xf32>
    %eq3A_472 = arith.cmpf oeq, %slice3A_470, %eq3A_471 : vector<1024x128xf32>
    %add3A_473 = arith.constant 3.840000e+02 : f32
    %add3A_474 = vector.broadcast %add3A_473 : f32 to vector<1024x128xf32>
    %add3A_475 = arith.addf %convert_element_type3A_442, %add3A_474 : vector<1024x128xf32>
    %jit3A_476 = arith.constant 3.000000e+07 : f32
    %broadcast_in_dim3A_477 = vector.broadcast %jit3A_476 : f32 to vector<1024x128xf32>
    %select_n3A_478 = arith.select %eq3A_472, %add3A_475, %broadcast_in_dim3A_477 : vector<1024x128xi1>, vector<1024x128xf32>
    %slice3A_479 = vector.extract_strided_slice %dot_general3A_437 {offsets = [0, 512], sizes = [1024, 128], strides = [1, 1]} : vector<1024x1024xf32> to vector<1024x128xf32>
    %eq3A_480 = vector.broadcast %broadcast_in_dim3A_440 : vector<1024x1xf32> to vector<1024x128xf32>
    %eq3A_481 = arith.cmpf oeq, %slice3A_479, %eq3A_480 : vector<1024x128xf32>
    %add3A_482 = arith.constant 5.120000e+02 : f32
    %add3A_483 = vector.broadcast %add3A_482 : f32 to vector<1024x128xf32>
    %add3A_484 = arith.addf %convert_element_type3A_442, %add3A_483 : vector<1024x128xf32>
    %jit3A_485 = arith.constant 3.000000e+07 : f32
    %broadcast_in_dim3A_486 = vector.broadcast %jit3A_485 : f32 to vector<1024x128xf32>
    %select_n3A_487 = arith.select %eq3A_481, %add3A_484, %broadcast_in_dim3A_486 : vector<1024x128xi1>, vector<1024x128xf32>
    %slice3A_488 = vector.extract_strided_slice %dot_general3A_437 {offsets = [0, 640], sizes = [1024, 128], strides = [1, 1]} : vector<1024x1024xf32> to vector<1024x128xf32>
    %eq3A_489 = vector.broadcast %broadcast_in_dim3A_440 : vector<1024x1xf32> to vector<1024x128xf32>
    %eq3A_490 = arith.cmpf oeq, %slice3A_488, %eq3A_489 : vector<1024x128xf32>
    %add3A_491 = arith.constant 6.400000e+02 : f32
    %add3A_492 = vector.broadcast %add3A_491 : f32 to vector<1024x128xf32>
    %add3A_493 = arith.addf %convert_element_type3A_442, %add3A_492 : vector<1024x128xf32>
    %jit3A_494 = arith.constant 3.000000e+07 : f32
    %broadcast_in_dim3A_495 = vector.broadcast %jit3A_494 : f32 to vector<1024x128xf32>
    %select_n3A_496 = arith.select %eq3A_490, %add3A_493, %broadcast_in_dim3A_495 : vector<1024x128xi1>, vector<1024x128xf32>
    %slice3A_497 = vector.extract_strided_slice %dot_general3A_437 {offsets = [0, 768], sizes = [1024, 128], strides = [1, 1]} : vector<1024x1024xf32> to vector<1024x128xf32>
    %eq3A_498 = vector.broadcast %broadcast_in_dim3A_440 : vector<1024x1xf32> to vector<1024x128xf32>
    %eq3A_499 = arith.cmpf oeq, %slice3A_497, %eq3A_498 : vector<1024x128xf32>
    %add3A_500 = arith.constant 7.680000e+02 : f32
    %add3A_501 = vector.broadcast %add3A_500 : f32 to vector<1024x128xf32>
    %add3A_502 = arith.addf %convert_element_type3A_442, %add3A_501 : vector<1024x128xf32>
    %jit3A_503 = arith.constant 3.000000e+07 : f32
    %broadcast_in_dim3A_504 = vector.broadcast %jit3A_503 : f32 to vector<1024x128xf32>
    %select_n3A_505 = arith.select %eq3A_499, %add3A_502, %broadcast_in_dim3A_504 : vector<1024x128xi1>, vector<1024x128xf32>
    %slice3A_506 = vector.extract_strided_slice %dot_general3A_437 {offsets = [0, 896], sizes = [1024, 128], strides = [1, 1]} : vector<1024x1024xf32> to vector<1024x128xf32>
    %eq3A_507 = vector.broadcast %broadcast_in_dim3A_440 : vector<1024x1xf32> to vector<1024x128xf32>
    %eq3A_508 = arith.cmpf oeq, %slice3A_506, %eq3A_507 : vector<1024x128xf32>
    %add3A_509 = arith.constant 8.960000e+02 : f32
    %add3A_510 = vector.broadcast %add3A_509 : f32 to vector<1024x128xf32>
    %add3A_511 = arith.addf %convert_element_type3A_442, %add3A_510 : vector<1024x128xf32>
    %jit3A_512 = arith.constant 3.000000e+07 : f32
    %broadcast_in_dim3A_513 = vector.broadcast %jit3A_512 : f32 to vector<1024x128xf32>
    %select_n3A_514 = arith.select %eq3A_508, %add3A_511, %broadcast_in_dim3A_513 : vector<1024x128xi1>, vector<1024x128xf32>
    %min3A_515 = arith.minimumf %select_n3A_451, %select_n3A_460 : vector<1024x128xf32>
    %min3A_516 = arith.minimumf %select_n3A_469, %select_n3A_478 : vector<1024x128xf32>
    %min3A_517 = arith.minimumf %select_n3A_487, %select_n3A_496 : vector<1024x128xf32>
    %min3A_518 = arith.minimumf %select_n3A_505, %select_n3A_514 : vector<1024x128xf32>
    %min3A_519 = arith.minimumf %min3A_515, %min3A_516 : vector<1024x128xf32>
    %min3A_520 = arith.minimumf %min3A_517, %min3A_518 : vector<1024x128xf32>
    %min3A_521 = arith.minimumf %min3A_519, %min3A_520 : vector<1024x128xf32>
    %reduce_min3A_522 = arith.constant dense<0x7F800000> : vector<1024xf32>
    %reduce_min3A_523 = vector.multi_reduction <minimumf>, %min3A_521, %reduce_min3A_522 [1] : vector<1024x128xf32> to vector<1024xf32>
    %broadcast_in_dim3A_524 = vector.shape_cast %reduce_min3A_523 : vector<1024xf32> to vector<1024x1xf32>
    %get3A_525 = arith.constant 0 : index
    %get3A_526 = arith.constant 0 : index
    %get3A_527 = vector.load %arg3[%get3A_525, %get3A_526] : memref<1024x1xf32, #tpu.memory_space<vmem>>, vector<1024x1xf32>
    %gt3A_528 = arith.cmpf ogt, %broadcast_in_dim3A_440, %get3A_527 : vector<1024x1xf32>
    %mul3A_529 = arith.constant 4096 : i32
    %mul3A_530 = arith.muli %arg0, %mul3A_529 : i32
    %add3A_531 = arith.constant 3072 : i32
    %add3A_532 = arith.addi %mul3A_530, %add3A_531 : i32
    %convert_element_type3A_533 = arith.sitofp %add3A_532 : i32 to f32
    %add3A_534 = vector.broadcast %convert_element_type3A_533 : f32 to vector<1024x1xf32>
    %add3A_535 = arith.addf %broadcast_in_dim3A_524, %add3A_534 : vector<1024x1xf32>
    %get3A_536 = arith.constant 0 : index
    %get3A_537 = arith.constant 0 : index
    %get3A_538 = vector.load %arg7[%get3A_536, %get3A_537] : memref<1024x1xf32, #tpu.memory_space<vmem>>, vector<1024x1xf32>
    %select_n3A_539 = arith.select %gt3A_528, %add3A_535, %get3A_538 : vector<1024x1xi1>, vector<1024x1xf32>
    %swap3A_540 = arith.constant 0 : index
    %swap3A_541 = arith.constant 0 : index
    %swap3A_542 = vector.load %arg7[%swap3A_540, %swap3A_541] : memref<1024x1xf32, #tpu.memory_space<vmem>>, vector<1024x1xf32>
    tpu.vector_store %arg7[%swap3A_540, %swap3A_541], %select_n3A_539 {strides = array<i32>} : memref<1024x1xf32, #tpu.memory_space<vmem>>, vector<1024x1xf32>,
    %get3A_543 = arith.constant 0 : index
    %get3A_544 = arith.constant 0 : index
    %get3A_545 = vector.load %arg3[%get3A_543, %get3A_544] : memref<1024x1xf32, #tpu.memory_space<vmem>>, vector<1024x1xf32>
    %select_n3A_546 = arith.select %gt3A_528, %broadcast_in_dim3A_440, %get3A_545 : vector<1024x1xi1>, vector<1024x1xf32>
    %swap3A_547 = arith.constant 0 : index
    %swap3A_548 = arith.constant 0 : index
    %swap3A_549 = vector.load %arg3[%swap3A_547, %swap3A_548] : memref<1024x1xf32, #tpu.memory_space<vmem>>, vector<1024x1xf32>
    tpu.vector_store %arg3[%swap3A_547, %swap3A_548], %select_n3A_546 {strides = array<i32>} : memref<1024x1xf32, #tpu.memory_space<vmem>>, vector<1024x1xf32>,
    %eq3A_550 = arith.constant 24 : i32
    %eq3A_551 = arith.cmpi eq, %arg0, %eq3A_550 : i32
    %convert_element_type3A_552 = arith.extui %eq3A_551 : i1 to i32
    %cond3A_553 = arith.constant 0 : i32
    %cond3A_554 = arith.cmpi ne, %convert_element_type3A_552, %cond3A_553 : i32
    scf.if %cond3A_554 {
      %get3A_555 = arith.constant 0 : index
      %get3A_556 = arith.constant 0 : index
      %get3A_557 = vector.load %arg8[%get3A_555, %get3A_556] : memref<1x128xf32, #tpu.memory_space<vmem>>, vector<1x128xf32>
      %get3A_558 = arith.constant 0 : index
      %get3A_559 = arith.constant 0 : index
      %get3A_560 = vector.load %arg9[%get3A_558, %get3A_559] : memref<1x128xf32, #tpu.memory_space<vmem>>, vector<1x128xf32>
      %mul3A_561 = arith.constant 2.400000e+03 : f32
      %mul3A_562 = vector.broadcast %mul3A_561 : f32 to vector<1x128xf32>
      %mul3A_563 = arith.mulf %mul3A_562, %get3A_560 : vector<1x128xf32>
      %sub3A = arith.subf %get3A_557, %mul3A_563 : vector<1x128xf32>
      %get3A_564 = arith.constant 0 : index
      %get3A_565 = arith.constant 0 : index
      %get3A_566 = vector.load %arg6[%get3A_564, %get3A_565] : memref<1024x128xf32, #tpu.memory_space<vmem>>, vector<1024x128xf32>
      %dot_general3A_567 = arith.constant dense<0.000000e+00> : vector<1024x1xf32>
      %dot_general3A_568 = tpu.matmul %get3A_566, %sub3A, %dot_general3A_567 {dimension_numbers = #tpu.dot_dimension_numbers<[1], [1], [0], [0], [0, 0, 1, 0], [], []>, transpose_lhs_hint = false} : vector<1024x128xf32>, vector<1x128xf32>, vector<1024x1xf32> -> vector<1024x1xf32>
      %mul3A_569 = arith.constant 9.99999974E-6 : f32
      %mul3A_570 = vector.broadcast %mul3A_569 : f32 to vector<1024x1xf32>
      %mul3A_571 = arith.mulf %dot_general3A_568, %mul3A_570 : vector<1024x1xf32>
      %swap3A_572 = arith.constant 0 : index
      %swap3A_573 = arith.constant 0 : index
      %swap3A_574 = vector.load %arg5[%swap3A_572, %swap3A_573] : memref<1024x1xf32, #tpu.memory_space<vmem>>, vector<1024x1xf32>
      tpu.vector_store %arg5[%swap3A_572, %swap3A_573], %mul3A_571 {strides = array<i32>} : memref<1024x1xf32, #tpu.memory_space<vmem>>, vector<1024x1xf32>,
      %get3A_575 = arith.constant 0 : index
      %get3A_576 = arith.constant 0 : index
      %get3A_577 = vector.load %arg7[%get3A_575, %get3A_576] : memref<1024x1xf32, #tpu.memory_space<vmem>>, vector<1024x1xf32>
      %convert_element_type3A_578 = arith.fptosi %get3A_577 : vector<1024x1xf32> to vector<1024x1xi32>
      %swap3A_579 = arith.constant 0 : index
      %swap3A_580 = arith.constant 0 : index
      %swap3A_581 = vector.load %arg4[%swap3A_579, %swap3A_580] : memref<1024x1xi32, #tpu.memory_space<vmem>>, vector<1024x1xi32>
      tpu.vector_store %arg4[%swap3A_579, %swap3A_580], %convert_element_type3A_578 {strides = array<i32>} : memref<1024x1xi32, #tpu.memory_space<vmem>>, vector<1024x1xi32>,
    } else {
    }
    return
  }
  func.func @transform_0(%arg0: i32) -> (i32, i32) {
    %c0_i32 = arith.constant 0 : i32
    %c0_i32_0 = arith.constant 0 : i32
    %c0_i32_1 = arith.constant 0 : i32
    return %c0_i32, %c0_i32_0 : i32, i32
  }
  func.func @transform_1(%arg0: i32) -> (i32, i32) {
    %c0_i32 = arith.constant 0 : i32
    %c0_i32_0 = arith.constant 0 : i32
    return %arg0, %c0_i32 : i32, i32
  }
  func.func @transform_2(%arg0: i32) -> (i32, i32) {
    %c0_i32 = arith.constant 0 : i32
    %c0_i32_0 = arith.constant 0 : i32
    %c0_i32_1 = arith.constant 0 : i32
    return %c0_i32, %c0_i32_0 : i32, i32
  }
  func.func @transform_3(%arg0: i32) -> (i32, i32) {
    %c0_i32 = arith.constant 0 : i32
    %c0_i32_0 = arith.constant 0 : i32
    %c0_i32_1 = arith.constant 0 : i32
    return %c0_i32, %c0_i32_0 : i32, i32
  }
  func.func @transform_4(%arg0: i32) -> (i32, i32) {
    %c0_i32 = arith.constant 0 : i32
    %c0_i32_0 = arith.constant 0 : i32
    %c0_i32_1 = arith.constant 0 : i32
    return %c0_i32, %c0_i32_0 : i32, i32
  }
}

</mosaic_0001>

<sc_bundles>
// kernel: kernel.4.cloned.1.call-start
scs
__scs_entry_jumppad:
0x0: {  	(pc) =	sbr.rel $0x88, $3  }
0x1: {  	(tag) =	ssettag $0x0;
	lr =	simm.s32 $0x1  }
0x2: {  	[smem:$0x3F9E] =	sst lr;
	_ =	strace $0xD0000000  }
0x3: {  	_ = 	snop  }
0x4: {  	_ = 	snop  }
0x5: {  	_ = 	snop  }
0x6: {  	_ = 	snop  }
0x7: {  	_ = 	snop  }
__scs_overlays_trampoline_lowered:
0x8: {  	[smem:$0x3FAD] =	sst s0  }
0x9: {  	[smem:$0x3FAE] =	sst s1  }
0xa: {  	[smem:$0x3FAF] =	sst s2  }
0xb: {  	[smem:$0x3FB0] =	sst s3  }
0xc: {  	[smem:$0x3FB1] =	sst s4  }
0xd: {  	[smem:$0x3FB2] =	sst s5  }
0xe: {  	[smem:$0x3FB3] =	sst s6  }
0xf: {  	[smem:$0x3FB4] =	sst s7  }
0x10: {  	[smem:$0x3FB5] =	sst s8  }
0x11: {  	[smem:$0x3FB6] =	sst s9;
	s0 =	simm.s32 @!p0 $0x0  }
0x12: {  	s1 =	sld [smem:$0x3F9C];
	s0 =	simm.s32 @p0 $0x1  }
0x13: {  	[smem:$0x3FB7] =	sst s0;
	s0 =	simm.s32 @!p1 $0x0  }
0x14: {  	s2 =	sld [smem:$0x3F9B];
	s0 =	simm.s32 @p1 $0x1  }
0x15: {  	[smem:$0x3FB8] =	sst s0;
	s0 =	simm.s32 @!p2 $0x0  }
0x16: {  	s3 =	sld [smem:$0x3FDB];
	s0 =	simm.s32 @p2 $0x1  }
0x17: {  	s4 =	simm.s32 $0x1BF5;
	[smem:$0x3FBA] =	sst s0  }
0x18: {  	s0 =	sld [smem:$0x3F9D];
	_ =	swait.ge [sflag:s4], $0x0  }
0x19: {  	s7 =	sld [smem:$0x3F9E]  }
0x1a: {  	s8 =	sadd.s32 $0xFFFFE003, lr  }
0x1b: {  	s9 =	sadd.s32 $0xFFFFFEF7, lr;
	s5 =	simm.s32 $0xFFFFFFFF;
	p2 =	slt.u32 s8, $0xFFFFF086  }
0x1c: {  	p1 =	slt.u32 s9, $0xF7A;
	s5 =	simm.s32 @!p2 $0x0  }
0x1d: {  	s5 =	simm.s32 @p1 $0x1;
	p0 =	seq.s32 s7, s2  }
0x1e: {  	s7 =	smul.u32 @!p0 $0xF7A, s2;
	p2 =	seq.s32 @!p0 s5, $0x0  }
0x1f: {  	s9 =	smul.u32 $0xF7A, s1;
	s8 =	simm.s32 @!p0 $0x1BF5;
	p2 =	por !p2, p0  }
0x20: {  	[sflag:s8] =	ssyncset.s32 @!p0 $0xFFFFF086;
	s6 =	sadd.s32 @!p0 s3, s7;
	s7 =	simm.s32 @!p0 $0x108  }
0x21: {  	s3 =	sadd.s32 s3, s9;
	s6 =	sadd.s32 @!p0 $0x88, s6;
	s7 =	simm.s32 @p2 $0x1082  }
0x22: {  	[simem:s7], [sflag:s8] =	dma.local @!p0 [hbm:s6], $0xF7A  }
0x23: {  	s9 =	sor.u32 $0xD0000000, s2;
	s6 =	simm.s32 $0x108;
	_ =	swait.ge @!p0 [sflag:s8], $0x0  }
0x24: {  	s3 =	sadd.s32 $0x88, s3;
	s6 =	simm.s32 @!p1 $0x1082;
	[sflag:s4] =	ssyncset.s32 $0xFFFFF086  }
0x25: {  	[simem:s6], [sflag:s4] =	dma.local [hbm:s3], $0xF7A  }
0x26: {  	[smem:$0x3F9E] =	sst s1;
	(tag) =	ssettag s2;
	_ =	strace s9  }
0x27: {  	s1 =	sld [smem:$0x3FAE]  }
0x28: {  	s2 =	sld [smem:$0x3FAF]  }
0x29: {  	s4 =	sld [smem:$0x3FB1]  }
0x2a: {  	p0 =	seq.s32 s5, $0x0;
	s5 =	sld [smem:$0x3FB2]  }
0x2b: {  	s6 =	sld [smem:$0x3FB3]  }
0x2c: {  	s7 =	sld [smem:$0x3FB4]  }
0x2d: {  	s3 =	simm.s32 $0x108;
	s8 =	sld [smem:$0x3FB5]  }
0x2e: {  	s3 =	simm.s32 @!p0 $0x1082;
	s9 =	sld [smem:$0x3FB6]  }
0x2f: {  	lr =	sadd.s32 s0, s3;
	s0 =	sld [smem:$0x3FAD]  }
0x30: {  	s3 =	sld [smem:$0x3FB0]  }
0x31: {  	[smem:$0x3FB9] =	sst s10  }
0x32: {  	s10 =	sld [smem:$0x3FB7];
	_ =	sdelay $0x3  }
0x33: {  	p0 =	seq.s32 s10, $0x1;
	s10 =	sld [smem:$0x3FB9];
	_ =	sdelay $0x3  }
0x34: {  	[smem:$0x3FB9] =	sst s10  }
0x35: {  	s10 =	sld [smem:$0x3FB8];
	_ =	sdelay $0x3  }
0x36: {  	p1 =	seq.s32 s10, $0x1;
	s10 =	sld [smem:$0x3FB9];
	_ =	sdelay $0x3  }
0x37: {  	[smem:$0x3FB9] =	sst s10  }
0x38: {  	s10 =	sld [smem:$0x3FBA]  }
0x39: {  	_ = 	snop;
	(pc) =	sbr.ind lr, $3  }
0x3a: {  	_ = 	snop  }
0x3b: {  	_ = 	snop  }
0x3c: {  	p2 =	seq.s32 s10, $0x1;
	s10 =	sld [smem:$0x3FB9]  }
0x3d: {  	_ =	shalt  }
0x3e: {  	_ =	shalt  }
0x3f: {  	_ =	shalt  }
0x40: {  	_ =	shalt  }
0x41: {  	_ =	shalt  }
0x42: {  	_ =	shalt  }
0x43: {  	_ =	shalt  }
0x44: {  	_ =	shalt  }
0x45: {  	_ =	shalt  }
0x46: {  	_ =	shalt  }
0x47: {  	_ =	shalt  }
0x48: {  	_ =	shalt  }
0x49: {  	_ =	shalt  }
0x4a: {  	_ =	shalt  }
0x4b: {  	_ =	shalt  }
0x4c: {  	_ =	shalt  }
0x4d: {  	_ =	shalt  }
0x4e: {  	_ =	shalt  }
0x4f: {  	_ =	shalt  }
0x50: {  	_ =	shalt  }
0x51: {  	_ =	shalt  }
0x52: {  	_ =	shalt  }
0x53: {  	_ =	shalt  }
0x54: {  	_ =	shalt  }
0x55: {  	_ =	shalt  }
0x56: {  	_ =	shalt  }
0x57: {  	_ =	shalt  }
0x58: {  	_ =	shalt  }
0x59: {  	_ =	shalt  }
0x5a: {  	_ =	shalt  }
0x5b: {  	_ =	shalt  }
0x5c: {  	_ =	shalt  }
0x5d: {  	_ =	shalt  }
0x5e: {  	_ =	shalt  }
0x5f: {  	_ =	shalt  }
0x60: {  	_ =	shalt  }
0x61: {  	_ =	shalt  }
0x62: {  	_ =	shalt  }
0x63: {  	_ =	shalt  }
0x64: {  	_ =	shalt  }
0x65: {  	_ =	shalt  }
0x66: {  	_ =	shalt  }
0x67: {  	_ =	shalt  }
0x68: {  	_ =	shalt  }
0x69: {  	_ =	shalt  }
0x6a: {  	_ =	shalt  }
0x6b: {  	_ =	shalt  }
0x6c: {  	_ =	shalt  }
0x6d: {  	_ =	shalt  }
0x6e: {  	_ =	shalt  }
0x6f: {  	_ =	shalt  }
0x70: {  	_ =	shalt  }
0x71: {  	_ =	shalt  }
0x72: {  	_ =	shalt  }
0x73: {  	_ =	shalt  }
0x74: {  	_ =	shalt  }
0x75: {  	_ =	shalt  }
0x76: {  	_ =	shalt  }
0x77: {  	_ =	shalt  }
0x78: {  	_ =	shalt  }
0x79: {  	_ =	shalt  }
0x7a: {  	_ =	shalt  }
0x7b: {  	_ =	shalt  }
0x7c: {  	_ =	shalt  }
0x7d: {  	_ =	shalt  }
0x7e: {  	_ =	shalt  }
0x7f: {  	_ =	shalt  }
0x80: {  	_ =	shalt  }
0x81: {  	_ =	shalt  }
0x82: {  	_ =	shalt  }
0x83: {  	_ =	shalt  }
0x84: {  	_ =	shalt  }
0x85: {  	_ =	shalt  }
0x86: {  	_ =	shalt  }
0x87: {  	_ =	shalt  }
.Lfunc_end0:
.L_simem_size_0:
called_computation_lowered:
.L_overlay_start_0:
0x88: {  	s2 =	sld [smem:$0x3FD9]  }
0x89: {  	s3 =	sld [smem:$0x3FFE];
	_ =	sdelay $0x1  }
0x8a: {  	s1 =	srdreg.scid  }
0x8b: {  	s0 =	sand.u32 $0x1, s1  }
0x8c: {  	s14 =	sshll.u32 s0, $0xA;
	s2 =	sadd.s32 s3, s2  }
0x8d: {  	s2 =	sadd.s32 s2, s14  }
0x8e: {  	[smem:$0x3FC5] =	sst s2  }
0x8f: {  	_ = 	snop  }
0x90: {  	s2 =	sld [smem:$0x3FD0];
	_ =	sdelay $0x2  }
0x91: {  	s4 =	simm.s32 $0xA;
	s5 =	simm.s32 $0x10;
	s15 =	sld [smem:$0x3FC7]  }
0x92: {  	[smem:s5], [sflag:s4] =	dma.local [hbm:s2], $0x1  }
0x93: {  	_ =	swait.eq [sflag:s4], $0x1  }
0x94: {  	[sflag:s4] =	ssyncset.done $0x0  }
0x95: {  	[sflag:s4] =	ssyncadd.s32 $0xFFFFFFFF  }
0x96: {  	s16 =	sld [smem:$0x11];
	(tm) =	ssettm $0x1  }
0x97: {  	s17 =	sld [smem:$0x3FFB];
	_ =	sdelay $0x3  }
0x98: {  	_ =	strace s17  }
0x99: {  	s4 =	sld [smem:$0x3FFC];
	_ =	sdelay $0x3  }
0x9a: {  	_ =	strace s4  }
0x9b: {  	s4 =	sld [smem:$0x3FFD];
	_ =	sdelay $0x3  }
0x9c: {  	_ =	strace s4  }
0x9d: {  	_ =	strace $0x8FFFFFFF  }
0x9e: {  	s18 =	sld [smem:$0x3FDB];
	_ =	sdelay $0x1  }
0x9f: {  	s19 =	simm.s32 $_scs_section_size  }
0xa0: {  	s6 =	simm.s32 $_size__tile_overlayer_lowered;
	s7 =	simm.s32 $_tile_overlayer_lowered  }
0xa1: {  	s22 =	simm.s32 $0x1BFF;
	s21 =	sshll.u32 s7, $0x1;
	s4 =	sadd.s32 s19, s18  }
0xa2: {  	s8 =	simm.s32 $0x0;
	s20 =	sshll.u32 s6, $0x1;
	s6 =	sadd.s32 s21, s4  }
0xa3: {  	[timem:s8], [sflag:s22] =	dma.local [hbm:s6], s20  }
0xa4: {  	_ =	swait.ge [sflag:s22], s20  }
0xa5: {  	s5 =	ssub.s32 $0x0, s20;
	[sflag:s22] =	ssyncset.done $0x0  }
0xa6: {  	[sflag:s22] =	ssyncadd.s32 s5;
	_ =	sdelay $0x1  }
0xa7: {  	s23 =	simm.s32 $0x1B8B  }
0xa8: {  	_ =	swait.ge [sflag:s23], $0x1  }
0xa9: {  	[sflag:s23] =	ssyncset.done $0x0  }
0xaa: {  	s25 =	simm.s32 $0x1B8E;
	s24 =	sld [smem:$0x3FFE];
	[sflag:s23] =	ssyncadd.s32 $0xFFFFFFFF  }
0xab: {  	s26 =	simm.s32 $execute0_lowered;
	[smem:$0x3FD2] =	sst s25  }
0xac: {  	s6 =	sshll.u32 s26, $0x1;
	_ =	strace $0x80000046;
	[dreg:$0x1] =	wrdreg $0xFFFFFFFF  }
0xad: {  	s28 =	simm.s32 $_size_execute0_lowered;
	s4 =	sadd.s32 s4, s6;
	[dreg:$0x0] =	wrdreg $0x0  }
0xae: {  	s6 =	sshll.u32 s28, $0x1;
	[dreg:$0x2] =	wrdreg s4  }
0xaf: {  	[dreg:$0x3] =	wrdreg s6  }
0xb0: {  	[dreg:$0x4] =	wrdreg $0xC0  }
0xb1: {  	_ =	task [dreg:s8], $0x5FFFF  }
0xb2: {  	[dreg:$0x1] =	wrdreg $0xFFFFFFFF  }
0xb3: {  	[dreg:$0x0] =	wrdreg $0x60  }
0xb4: {  	[dreg:$0x2] =	wrdreg s15  }
0xb5: {  	[dreg:$0x3] =	wrdreg s24  }
0xb6: {  	[dreg:$0x4] =	wrdreg s16  }
0xb7: {  	[dreg:$0x5] =	wrdreg $0x9  }
0xb8: {  	_ =	task.clear_ibuf [dreg:s8], $0x6FFFF;
	_ =	strace $0x90000046  }
0xb9: {  	s29 =	simm.s32 $0x9;
	_ =	strace $0x80000048  }
0xba: {  	_ =	swait.ge [sflag:s29], $0x1  }
0xbb: {  	[sflag:s29] =	ssyncadd.s32 $0xFFFFFFFF  }
0xbc: {  	_ =	strace $0x90000048  }
0xbd: {  	_ =	sfence  }
0xbe: {  	s30 =	sld [smem:$0x0];
	_ =	sdelay $0x2  }
0xbf: {  	s31 =	sshll.u32 s1, $0xD;
	s1 =	sshrl.u32 s1, $0x2  }
0xc0: {  	s3 =	sand.u32 $0x4000, s31;
	s1 =	sadd.s32 s1, s30  }
0xc1: {  	s0 =	sor.u32 s3, s0;
	s1 =	sshll.u32 s1, $0x11  }
0xc2: {  	s0 =	sor.u32 s1, s0  }
0xc3: {  	s0 =	sadd.s32 $0x8F2B, s0  }
0xc4: {  	[sflag:s0] =	ssyncadd.remote.s32 $0x1  }
0xc5: {  	_ =	sfence.sel $0xFFFF  }
0xc6: {  	[dreg:$0x0] =	wrdreg $0xFFFFFFFF;
	(pc) =	sbr.abs _section_cstart, $3  }
0xc7: {  	[dreg:$0x1] =	wrdreg $0xFFFFFFFF  }
0xc8: {  	_ =	task.clear_ibuf [dreg:s8], $0x2FFFF;
	_ =	strace $0x9FFFFFFF  }
0xc9: {  	(tm) =	ssettm $0x7FFFFFFF  }
tec
execute0_lowered:
.L_overlay_start_1:
0x0: {  	(tag) =	ssettag $0x1  }
0x1: {  	s2 =	rddreg [dreg:$0x0]  }
0x2: {  	s4 =	rddreg [dreg:$0x1]  }
0x3: {  	s9 =	rddreg [dreg:$0x2];
	s3 =	srdreg.scid  }
0x4: {  	s0 =	rddreg [dreg:$0x3];
	s1 =	stileid.u32;
	s6 =	sand.u32 $0x1, s3  }
0x5: {  	s3 =	simm.s32 $0x0;
	s5 =	sshll.u32 s1, $0x3;
	s7 =	sshll.u32 s6, $0x2  }
0x6: {  	[smem:$0x7FF] =	sst s3;
	s11 =	ssub.s32 $0x2, s6;
	s10 =	sor.u32 s7, s5  }
0x7: {  	_ =	strace $0x80000047;
	s5 =	sadd.s32 s4, s10;
	s4 =	simm.s32 $0x2  }
0x8: {  	[tilespmem:s3], [sflag:$0x2] =	stream.linear.gather [hbm4b:s5+s3], $0x20, $0x38;
	[tilespmem:$0x100] =	vst v63  }
0x9: {  	s8 =	simm.s32 $0x1;
	s12 =	sshrl.u32 s11, $0x1;
	_ =	swait.ge [sflag:s4], $0x20  }
0xa: {  	s6 =	simm.s32 $0x20;
	s11 =	ssub.s32 s11, s12;
	[sflag:s4] =	ssyncset.done $0x0  }
0xb: {  	s7 =	simm.s32 $0x80;
	s31 =	smax.u32 s11, $0x1;
	[sflag:s4] =	ssyncadd.s32 $0xFFFFFFE0  }
0xc: {  	[tilespmem:s7], [sflag:$0x1] =	stream.indirect.gather [hbm4b:s2+s6], $0x1, s3, s6, $0xb8;
	[tilespmem:$0x100] =	vst v63  }
0xd: {  	p0 =	sne.s32 s31, $0x1;
	_ =	swait.ge [sflag:s8], $0x20  }
.Ltmp0:
0xe: {  	[sflag:s8] =	ssyncset.done $0x0;
	(pc) =	sbr.rel @!p0 .LBB2_2-.Ltmp0, $4  }
0xf: {  	s9 =	sadd.s32 s9, s10;
	[sflag:s8] =	ssyncadd.s32 $0xFFFFFFE0  }
0x10: {  	[hbm4b:s9+s3] =	stream.linear.scatter [tilespmem:s7], [sflag:$0x2], $0x20, $0x38;
	[tilespmem:$0x100] =	vst v63  }
0x11: {  	_ =	swait.ge [sflag:s4], $0x20  }
0x12: {  	s10 =	sadd.s32 $0xFFFFFFFF, s31;
	[sflag:s4] =	ssyncset.done $0x0  }
.LBB2_1:
0x13: {  	p0 =	sne.s32 s10, $0x1;
	s10 =	sadd.s32 $0xFFFFFFFF, s10;
	[sflag:s4] =	ssyncadd.s32 $0xFFFFFFE0  }
0x14: {  	[tilespmem:s3], [sflag:$0x2] =	stream.linear.gather [hbm4b:s5+s3], $0x20, $0x38;
	[tilespmem:$0x100] =	vst v63  }
0x15: {  	_ =	swait.ge [sflag:s4], $0x20  }
0x16: {  	[sflag:s4] =	ssyncset.done $0x0  }
0x17: {  	[sflag:s4] =	ssyncadd.s32 $0xFFFFFFE0  }
0x18: {  	[tilespmem:s7], [sflag:$0x1] =	stream.indirect.gather [hbm4b:s2+s6], $0x1, s3, s6, $0xb8;
	[tilespmem:$0x100] =	vst v63  }
0x19: {  	_ =	swait.ge [sflag:s8], $0x20  }
.Ltmp1:
0x1a: {  	[sflag:s8] =	ssyncset.done $0x0;
	(pc) =	sbr.rel @p0 .LBB2_1-.Ltmp1, $4  }
0x1b: {  	[sflag:s8] =	ssyncadd.s32 $0xFFFFFFE0  }
0x1c: {  	[hbm4b:s9+s3] =	stream.linear.scatter [tilespmem:s7], [sflag:$0x2], $0x20, $0x38;
	[tilespmem:$0x100] =	vst v63  }
0x1d: {  	_ =	swait.ge [sflag:s4], $0x20  }
0x1e: {  	[sflag:s4] =	ssyncset.done $0x0  }
.LBB2_2:
0x1f: {  	[sflag:s4] =	ssyncadd.s32 $0xFFFFFFE0  }
0x20: {  	_ =	sfence.sel $0x180000  }
0x21: {  	[bflag:$0x0] =	sbarrier.arrive $0xFFFF  }
0x22: {  	p0 =	sne.s32 s1, $0x0;
	_ =	strace $0x90000047  }
0x23: {  	s0 =	sadd.s32 @!p0 $0x100000, s0;
	[bflag:$0x2] =	sbarrier.arrive $0xFFFF  }
0x24: {  	[sflag:s0] =	ssyncadd.tile.s32 @!p0 $0x1;
	_ =	shalt  }
.Lfunc_end2:
_tile_overlayer_lowered:
.L_overlay_start_2:
0x25: {  	(tag) =	ssettag $0x2  }
0x26: {  	s0 =	rddreg [dreg:$0x0];
	s2 =	stileid.u32  }
0x27: {  	s1 =	rddreg [dreg:$0x1];
	p0 =	sne.s32 s2, $0x0  }
0x28: {  	s3 =	rddreg [dreg:$0x2];
	[bflag:$0x3] =	sbarrier.arrive $0xFFFF;
	s2 =	simm.s32 @!p0 $0x1C02  }
0x29: {  	[timem:s3], [sflag:s2] =	dma.local @!p0 [hbm:s0], s1  }
0x2a: {  	s0 =	simm.s32 @!p0 $0x2  }
0x2b: {  	_ =	swait.ge @!p0 [sflag:s0], s1  }
0x2c: {  	s1 =	ssub.s32 @!p0 $0x0, s1;
	[sflag:s0] =	ssyncset.done @!p0 $0x0  }
0x2d: {  	[sflag:s0] =	ssyncadd.s32 @!p0 s1  }
0x2e: {  	[bflag:$0x3] =	sbarrier.arrive $0xFFFF  }
0x2f: {  	_ =	shalt  }

</sc_bundles>
